<compile_context>
chip_gen: v7x
topology: tpu7x:2x2x1
jax: 0.10.2.dev20260603
libtpu: 0.0.44.dev20260713+nightly
codegen_flags: <defaults>
</compile_context>

<pallas_src>
import jax
import jax.numpy as jnp
from jax.experimental import pallas as pl
from jax.experimental.pallas import tpu as pltpu
from jax.experimental.pallas import tpu_sc as plsc

B, N = 8, 8192
G, K = 512, 32
GB = 8
NGBLK = G // GB

DP = 8
NIDX = B * G * K
SC_NC, SC_NS = 2, 16
NW = SC_NC * SC_NS
ROWS_W = NIDX // NW


def _fps_kernel(xyzT_ref, cent_ref, dists_ref):
    x = xyzT_ref[0]
    y = xyzT_ref[1]
    z = xyzT_ref[2]
    dists_ref[...] = jnp.full((B, N), 1e10, jnp.float32)
    iota = jax.lax.broadcasted_iota(jnp.int32, (B, N), 1)

    def body(i, c):
        cx, cy, cz = c
        cent_ref[i] = jnp.concatenate([cx, cy, cz], axis=-1)
        d = (x - cx) ** 2 + (y - cy) ** 2 + (z - cz) ** 2
        dists = jnp.minimum(dists_ref[...], d)
        dists_ref[...] = dists
        m = jnp.max(dists, axis=-1, keepdims=True)
        j = jnp.min(jnp.where(dists == m, iota, N), axis=-1, keepdims=True)
        sel = iota == j
        ncx = jnp.sum(jnp.where(sel, x, 0.0), -1, keepdims=True)
        ncy = jnp.sum(jnp.where(sel, y, 0.0), -1, keepdims=True)
        ncz = jnp.sum(jnp.where(sel, z, 0.0), -1, keepdims=True)
        return (ncx, ncy, ncz)

    c0 = (x[:, 0:1], y[:, 0:1], z[:, 0:1])
    jax.lax.fori_loop(0, G, body, c0, unroll=False)


def _knn_kernel(xyzB_ref, cent_ref, out_ref):
    x = xyzB_ref[0, 0:1, :]
    y = xyzB_ref[0, 1:2, :]
    z = xyzB_ref[0, 2:3, :]
    c = cent_ref[0]
    cx = c[:, 0:1]
    cy = c[:, 1:2]
    cz = c[:, 2:3]
    xn2 = (x * x + y * y) + z * z
    cn2 = (cx * cx + cy * cy) + cz * cz
    dot = jax.lax.dot_general(
        c, xyzB_ref[0], (((1,), (0,)), ((), ())),
        preferred_element_type=jnp.float32)
    d = (cn2 + xn2) - 2.0 * dot

    iota = jax.lax.broadcasted_iota(jnp.int32, (GB, N), 1)
    for t in range(K):
        m = jnp.min(d, -1, keepdims=True)
        j = jnp.min(jnp.where(d == m, iota, N), -1, keepdims=True)
        out_ref[0, 0, t] = j
        d = jnp.where(iota == j, jnp.inf, d)


def _gather_kernel(x_hbm, y_hbm, z_hbm, idx_hbm, ox_hbm, oy_hbm, oz_hbm,
                   idx_v, vx, vy, vz, sem):
    wid = jax.lax.axis_index("s") * SC_NC + jax.lax.axis_index("c")
    base = wid * ROWS_W
    pltpu.sync_copy(idx_hbm.at[pl.ds(base, ROWS_W)], idx_v)
    pltpu.async_copy(x_hbm.at[idx_v], vx, sem).wait()
    pltpu.async_copy(y_hbm.at[idx_v], vy, sem).wait()
    pltpu.async_copy(z_hbm.at[idx_v], vz, sem).wait()
    pltpu.sync_copy(vx, ox_hbm.at[pl.ds(base, ROWS_W)])
    pltpu.sync_copy(vy, oy_hbm.at[pl.ds(base, ROWS_W)])
    pltpu.sync_copy(vz, oz_hbm.at[pl.ds(base, ROWS_W)])


def _norm_kernel(nb_ref, cent_ref, ab_ref, out_ref):
    cx = cent_ref[0, :, 0:1]
    cy = cent_ref[0, :, 1:2]
    cz = cent_ref[0, :, 2:3]
    dx = nb_ref[0, 0] - cx
    dy = nb_ref[0, 1] - cy
    dz = nb_ref[0, 2] - cz
    cnt = 3.0 * G * K
    mean = (jnp.sum(dx) + jnp.sum(dy) + jnp.sum(dz)) / cnt
    var = (jnp.sum((dx - mean) ** 2) + jnp.sum((dy - mean) ** 2)
           + jnp.sum((dz - mean) ** 2)) / (cnt - 1.0)
    denom = jnp.sqrt(var) + 1e-05
    out_ref[0, 0] = (dx / denom) * ab_ref[0] + ab_ref[3]
    out_ref[0, 1] = (dy / denom) * ab_ref[1] + ab_ref[4]
    out_ref[0, 2] = (dz / denom) * ab_ref[2] + ab_ref[5]
    out_ref[0, 3] = jnp.broadcast_to(cx, (G, K))
    out_ref[0, 4] = jnp.broadcast_to(cy, (G, K))
    out_ref[0, 5] = jnp.broadcast_to(cz, (G, K))


def kernel(xyz, alpha, beta):
    xyzT = jnp.transpose(xyz, (2, 0, 1))

    cent = pl.pallas_call(
        _fps_kernel,
        out_shape=jax.ShapeDtypeStruct((G, B, 3), jnp.float32),
        scratch_shapes=[pltpu.VMEM((B, N), jnp.float32)],
    )(xyzT)

    xyzB = jnp.transpose(xyz, (0, 2, 1))
    centB = jnp.transpose(cent, (1, 0, 2))

    idx = pl.pallas_call(
        _knn_kernel,
        grid=(B, NGBLK),
        in_specs=[
            pl.BlockSpec((1, 3, N), lambda b, g: (b, 0, 0)),
            pl.BlockSpec((1, GB, 3), lambda b, g: (b, g, 0)),
        ],
        out_specs=pl.BlockSpec((1, 1, K, GB, 1), lambda b, g: (b, g, 0, 0, 0)),
        out_shape=jax.ShapeDtypeStruct((B, NGBLK, K, GB, 1), jnp.int32),
        compiler_params=pltpu.CompilerParams(
            dimension_semantics=("parallel", "parallel")),
    )(xyzB, centB)

    idxT = jnp.transpose(idx[..., 0], (0, 1, 3, 2)).reshape(B, G, K)
    idx_flat = (idxT + jnp.arange(B, dtype=jnp.int32)[:, None, None] * N
                ).reshape(NIDX)

    xpl = xyz[:, :, 0].reshape(B * N)
    ypl = xyz[:, :, 1].reshape(B * N)
    zpl = xyz[:, :, 2].reshape(B * N)

    gx, gy, gz = pl.kernel(
        _gather_kernel,
        mesh=plsc.VectorSubcoreMesh(core_axis_name="c", subcore_axis_name="s"),
        out_type=[
            jax.ShapeDtypeStruct((NIDX,), jnp.float32),
            jax.ShapeDtypeStruct((NIDX,), jnp.float32),
            jax.ShapeDtypeStruct((NIDX,), jnp.float32),
        ],
        scratch_types=[
            pltpu.VMEM((ROWS_W,), jnp.int32),
            pltpu.VMEM((ROWS_W,), jnp.float32),
            pltpu.VMEM((ROWS_W,), jnp.float32),
            pltpu.VMEM((ROWS_W,), jnp.float32),
            pltpu.SemaphoreType.DMA,
        ],
    )(xpl, ypl, zpl, idx_flat)

    nbT = jnp.stack([gx, gy, gz], axis=0).reshape(3, B, G, K)
    nbT = jnp.transpose(nbT, (1, 0, 2, 3))
    ab = jnp.concatenate([alpha.reshape(3), beta.reshape(3)])

    out = pl.pallas_call(
        _norm_kernel,
        grid=(B,),
        in_specs=[
            pl.BlockSpec((1, 3, G, K), lambda b: (b, 0, 0, 0)),
            pl.BlockSpec((1, G, 3), lambda b: (b, 0, 0)),
            pl.BlockSpec(memory_space=pltpu.SMEM),
        ],
        out_specs=pl.BlockSpec((1, 6, G, K), lambda b: (b, 0, 0, 0)),
        out_shape=jax.ShapeDtypeStruct((B, 6, G, K), jnp.float32),
        compiler_params=pltpu.CompilerParams(
            dimension_semantics=("parallel",)),
    )(nbT, centB, ab)

    neighborhood = jnp.transpose(out, (0, 2, 3, 1))
    center = jnp.transpose(cent, (1, 0, 2))
    return neighborhood, center

# --- scband reference (transcript-rebuilt; emitter-appended) ---
"""Pipeline reference for scband-local-grouper-84731114816195 (READ-ONLY COPY).

The authoritative reference and input builder live on the scoring server;
editing this copy changes nothing except your own understanding.
"""

import jax, jax.numpy as jnp
import numpy as np

B, N = 8, 8192
NUM_GROUP, GROUP_SIZE = 512, 32


def _fps(xyz, npoint):
    b, n, _ = xyz.shape
    bidx = jnp.arange(b)

    def body(i, state):
        dists, far, cents = state
        cents = cents.at[:, i].set(far)
        c = xyz[bidx, far]
        d = jnp.sum((xyz - c[:, None, :]) ** 2, axis=-1)
        dists = jnp.minimum(dists, d)
        far = jnp.argmax(dists, axis=-1).astype(jnp.int32)
        return (dists, far, cents)

    init = (jnp.full((b, n), 1e10, xyz.dtype), jnp.zeros((b,), jnp.int32), jnp.zeros((b, npoint), jnp.int32))
    _, _, cents = jax.lax.fori_loop(0, npoint, body, init)
    center = jnp.take_along_axis(xyz, cents[..., None], axis=1)
    return center


def _knn(xyz, center, k):
    d = (jnp.sum(center ** 2, -1)[:, :, None] + jnp.sum(xyz ** 2, -1)[:, None, :]
         - 2.0 * jnp.einsum('bgd,bnd->bgn', center, xyz))
    _, idx = jax.lax.top_k(-d, k)
    return idx


def _forward(xyz, alpha, beta):
    b, n, _ = xyz.shape
    center = _fps(xyz, NUM_GROUP)
    idx = _knn(xyz, center, GROUP_SIZE)
    idx = idx + jnp.arange(b, dtype=idx.dtype)[:, None, None] * n
    idx = idx.reshape(-1)
    neighborhood = xyz.reshape(b * n, -1)[idx, :]
    neighborhood = neighborhood.reshape(b, NUM_GROUP, GROUP_SIZE, -1)
    mean = center[:, :, None, :]
    std = jnp.std((neighborhood - mean).reshape(b, -1), axis=-1, ddof=1)[:, None, None, None]
    neighborhood = (neighborhood - mean) / (std + 1e-05)
    neighborhood = alpha * neighborhood + beta
    neighborhood = jnp.concatenate(
        [neighborhood, jnp.broadcast_to(center[:, :, None, :], (b, NUM_GROUP, GROUP_SIZE, 3))], axis=-1)
    return neighborhood, center


def setup_inputs(seed: int = 0) -> dict:
    key = jax.random.key(seed)
    xyz = jax.random.normal(key, (B, N, 3), dtype=jnp.float32)
    alpha = jnp.ones((1, 1, 1, 3), dtype=jnp.float32)
    beta = jnp.zeros((1, 1, 1, 3), dtype=jnp.float32)
    return {"xyz": xyz, "alpha": alpha, "beta": beta}


def reference(xyz, alpha, beta):
    return _forward(xyz, alpha, beta)

if __name__ == "__main__":
    import jax
    _d = setup_inputs()
    print(jax.jit(kernel)(*tuple(_d.values())))

</pallas_src>

<mosaic_0001>
#map = affine_map<(d0, d1) -> (0)>
module attributes {stable_mosaic.version = 14 : i64} {
  func.func @_gather_kernel(%arg0: i32, %arg1: i32, %arg2: memref<65536xf32, #tpu.memory_space<hbm>>, %arg3: memref<65536xf32, #tpu.memory_space<hbm>>, %arg4: memref<65536xf32, #tpu.memory_space<hbm>>, %arg5: memref<131072xi32, #tpu.memory_space<hbm>>, %arg6: memref<131072xf32, #tpu.memory_space<hbm>>, %arg7: memref<131072xf32, #tpu.memory_space<hbm>>, %arg8: memref<131072xf32, #tpu.memory_space<hbm>>, %arg9: memref<4096xi32, #tpu.memory_space<vmem>>, %arg10: memref<4096xf32, #tpu.memory_space<vmem>>, %arg11: memref<4096xf32, #tpu.memory_space<vmem>>, %arg12: memref<4096xf32, #tpu.memory_space<vmem>>, %arg13: memref<!tpu.dma_semaphore, #tpu.memory_space<semaphore_mem>>) attributes {dimension_semantics = [#tpu.dimension_semantics<core_parallel>, #tpu.dimension_semantics<subcore_parallel>], iteration_bounds = array<i64: 2, 16>, scalar_prefetch = 0 : i64, scratch_operands = 5 : i64, tpu.core_type = #tpu.core_type<sc_vector_subcore>, window_params = [{transform_indices = #map}, {transform_indices = #map}, {transform_indices = #map}, {transform_indices = #map}, {transform_indices = #map}, {transform_indices = #map}, {transform_indices = #map}]} {
    %mul3A = arith.constant 2 : i32
    %mul3A_0 = arith.muli %arg1, %mul3A : i32
    %add3A = arith.addi %mul3A_0, %arg0 : i32
    %mul3A_1 = arith.constant 4096 : i32
    %mul3A_2 = arith.muli %add3A, %mul3A_1 : i32
    "tpu.region"() ({
      %run_scoped3A = tpu.sem_alloc : memref<!tpu.dma_semaphore, #tpu.memory_space<semaphore_mem>>
      %dma_start3A_13 = tpu.memref_slice %arg5[%mul3A_2] : memref<131072xi32, #tpu.memory_space<hbm>> -> memref<4096xi32, #tpu.memory_space<hbm>>
      %dma_start3A_14 = tpu.memref_slice %arg5[%mul3A_2] : memref<131072xi32, #tpu.memory_space<hbm>> -> memref<4096xi32, #tpu.memory_space<hbm>>
      tpu.enqueue_dma source(%dma_start3A_14 : memref<4096xi32, #tpu.memory_space<hbm>>) target(%arg9 : memref<4096xi32, #tpu.memory_space<vmem>>) target_semaphore(%run_scoped3A : memref<!tpu.dma_semaphore, #tpu.memory_space<semaphore_mem>>)
      %dma_wait3A_15 = tpu.memref_slice %arg5[%mul3A_2] : memref<131072xi32, #tpu.memory_space<hbm>> -> memref<4096xi32, #tpu.memory_space<hbm>>
      %dma_wait3A_16 = tpu.memref_slice %arg5[%mul3A_2] : memref<131072xi32, #tpu.memory_space<hbm>> -> memref<4096xi32, #tpu.memory_space<hbm>>
      tpu.wait_dma2 semaphore(%run_scoped3A : memref<!tpu.dma_semaphore, #tpu.memory_space<semaphore_mem>>) src(%dma_wait3A_16 : memref<4096xi32, #tpu.memory_space<hbm>>) dst(%arg9 : memref<4096xi32, #tpu.memory_space<vmem>>)
      tpu.yield
    }) : () -> ()
    %dma_start3A = arith.constant 0 : i32
    %dma_start3A_3 = tpu.memref_slice %arg2[%dma_start3A] : memref<65536xf32, #tpu.memory_space<hbm>> -> memref<65536xf32, #tpu.memory_space<hbm>>
    tpu.enqueue_indirect_dma source(%dma_start3A_3 : memref<65536xf32, #tpu.memory_space<hbm>>) target(%arg10 : memref<4096xf32, #tpu.memory_space<vmem>>) offsets(%arg9 : memref<4096xi32, #tpu.memory_space<vmem>>) semaphore(%arg13 : memref<!tpu.dma_semaphore, #tpu.memory_space<semaphore_mem>>)
    %dma_wait3A = arith.constant 0 : i32
    %dma_wait3A_4 = tpu.memref_slice %arg2[%dma_wait3A] : memref<65536xf32, #tpu.memory_space<hbm>> -> memref<65536xf32, #tpu.memory_space<hbm>>
    tpu.wait_indirect_dma semaphore(%arg13 : memref<!tpu.dma_semaphore, #tpu.memory_space<semaphore_mem>>) src(%dma_wait3A_4 : memref<65536xf32, #tpu.memory_space<hbm>>) dst(%arg10 : memref<4096xf32, #tpu.memory_space<vmem>>)
    %dma_start3A_5 = arith.constant 0 : i32
    %dma_start3A_6 = tpu.memref_slice %arg3[%dma_start3A_5] : memref<65536xf32, #tpu.memory_space<hbm>> -> memref<65536xf32, #tpu.memory_space<hbm>>
    tpu.enqueue_indirect_dma source(%dma_start3A_6 : memref<65536xf32, #tpu.memory_space<hbm>>) target(%arg11 : memref<4096xf32, #tpu.memory_space<vmem>>) offsets(%arg9 : memref<4096xi32, #tpu.memory_space<vmem>>) semaphore(%arg13 : memref<!tpu.dma_semaphore, #tpu.memory_space<semaphore_mem>>)
    %dma_wait3A_7 = arith.constant 0 : i32
    %dma_wait3A_8 = tpu.memref_slice %arg3[%dma_wait3A_7] : memref<65536xf32, #tpu.memory_space<hbm>> -> memref<65536xf32, #tpu.memory_space<hbm>>
    tpu.wait_indirect_dma semaphore(%arg13 : memref<!tpu.dma_semaphore, #tpu.memory_space<semaphore_mem>>) src(%dma_wait3A_8 : memref<65536xf32, #tpu.memory_space<hbm>>) dst(%arg11 : memref<4096xf32, #tpu.memory_space<vmem>>)
    %dma_start3A_9 = arith.constant 0 : i32
    %dma_start3A_10 = tpu.memref_slice %arg4[%dma_start3A_9] : memref<65536xf32, #tpu.memory_space<hbm>> -> memref<65536xf32, #tpu.memory_space<hbm>>
    tpu.enqueue_indirect_dma source(%dma_start3A_10 : memref<65536xf32, #tpu.memory_space<hbm>>) target(%arg12 : memref<4096xf32, #tpu.memory_space<vmem>>) offsets(%arg9 : memref<4096xi32, #tpu.memory_space<vmem>>) semaphore(%arg13 : memref<!tpu.dma_semaphore, #tpu.memory_space<semaphore_mem>>)
    %dma_wait3A_11 = arith.constant 0 : i32
    %dma_wait3A_12 = tpu.memref_slice %arg4[%dma_wait3A_11] : memref<65536xf32, #tpu.memory_space<hbm>> -> memref<65536xf32, #tpu.memory_space<hbm>>
    tpu.wait_indirect_dma semaphore(%arg13 : memref<!tpu.dma_semaphore, #tpu.memory_space<semaphore_mem>>) src(%dma_wait3A_12 : memref<65536xf32, #tpu.memory_space<hbm>>) dst(%arg12 : memref<4096xf32, #tpu.memory_space<vmem>>)
    "tpu.region"() ({
      %run_scoped3A = tpu.sem_alloc : memref<!tpu.dma_semaphore, #tpu.memory_space<semaphore_mem>>
      %dma_start3A_13 = tpu.memref_slice %arg6[%mul3A_2] : memref<131072xf32, #tpu.memory_space<hbm>> -> memref<4096xf32, #tpu.memory_space<hbm>>
      %dma_start3A_14 = tpu.memref_slice %arg6[%mul3A_2] : memref<131072xf32, #tpu.memory_space<hbm>> -> memref<4096xf32, #tpu.memory_space<hbm>>
      tpu.enqueue_dma source(%arg10 : memref<4096xf32, #tpu.memory_space<vmem>>) target(%dma_start3A_14 : memref<4096xf32, #tpu.memory_space<hbm>>) target_semaphore(%run_scoped3A : memref<!tpu.dma_semaphore, #tpu.memory_space<semaphore_mem>>)
      %dma_wait3A_15 = tpu.memref_slice %arg6[%mul3A_2] : memref<131072xf32, #tpu.memory_space<hbm>> -> memref<4096xf32, #tpu.memory_space<hbm>>
      %dma_wait3A_16 = tpu.memref_slice %arg6[%mul3A_2] : memref<131072xf32, #tpu.memory_space<hbm>> -> memref<4096xf32, #tpu.memory_space<hbm>>
      tpu.wait_dma2 semaphore(%run_scoped3A : memref<!tpu.dma_semaphore, #tpu.memory_space<semaphore_mem>>) src(%arg10 : memref<4096xf32, #tpu.memory_space<vmem>>) dst(%dma_wait3A_16 : memref<4096xf32, #tpu.memory_space<hbm>>)
      tpu.yield
    }) : () -> ()
    "tpu.region"() ({
      %run_scoped3A = tpu.sem_alloc : memref<!tpu.dma_semaphore, #tpu.memory_space<semaphore_mem>>
      %dma_start3A_13 = tpu.memref_slice %arg7[%mul3A_2] : memref<131072xf32, #tpu.memory_space<hbm>> -> memref<4096xf32, #tpu.memory_space<hbm>>
      %dma_start3A_14 = tpu.memref_slice %arg7[%mul3A_2] : memref<131072xf32, #tpu.memory_space<hbm>> -> memref<4096xf32, #tpu.memory_space<hbm>>
      tpu.enqueue_dma source(%arg11 : memref<4096xf32, #tpu.memory_space<vmem>>) target(%dma_start3A_14 : memref<4096xf32, #tpu.memory_space<hbm>>) target_semaphore(%run_scoped3A : memref<!tpu.dma_semaphore, #tpu.memory_space<semaphore_mem>>)
      %dma_wait3A_15 = tpu.memref_slice %arg7[%mul3A_2] : memref<131072xf32, #tpu.memory_space<hbm>> -> memref<4096xf32, #tpu.memory_space<hbm>>
      %dma_wait3A_16 = tpu.memref_slice %arg7[%mul3A_2] : memref<131072xf32, #tpu.memory_space<hbm>> -> memref<4096xf32, #tpu.memory_space<hbm>>
      tpu.wait_dma2 semaphore(%run_scoped3A : memref<!tpu.dma_semaphore, #tpu.memory_space<semaphore_mem>>) src(%arg11 : memref<4096xf32, #tpu.memory_space<vmem>>) dst(%dma_wait3A_16 : memref<4096xf32, #tpu.memory_space<hbm>>)
      tpu.yield
    }) : () -> ()
    "tpu.region"() ({
      %run_scoped3A = tpu.sem_alloc : memref<!tpu.dma_semaphore, #tpu.memory_space<semaphore_mem>>
      %dma_start3A_13 = tpu.memref_slice %arg8[%mul3A_2] : memref<131072xf32, #tpu.memory_space<hbm>> -> memref<4096xf32, #tpu.memory_space<hbm>>
      %dma_start3A_14 = tpu.memref_slice %arg8[%mul3A_2] : memref<131072xf32, #tpu.memory_space<hbm>> -> memref<4096xf32, #tpu.memory_space<hbm>>
      tpu.enqueue_dma source(%arg12 : memref<4096xf32, #tpu.memory_space<vmem>>) target(%dma_start3A_14 : memref<4096xf32, #tpu.memory_space<hbm>>) target_semaphore(%run_scoped3A : memref<!tpu.dma_semaphore, #tpu.memory_space<semaphore_mem>>)
      %dma_wait3A_15 = tpu.memref_slice %arg8[%mul3A_2] : memref<131072xf32, #tpu.memory_space<hbm>> -> memref<4096xf32, #tpu.memory_space<hbm>>
      %dma_wait3A_16 = tpu.memref_slice %arg8[%mul3A_2] : memref<131072xf32, #tpu.memory_space<hbm>> -> memref<4096xf32, #tpu.memory_space<hbm>>
      tpu.wait_dma2 semaphore(%run_scoped3A : memref<!tpu.dma_semaphore, #tpu.memory_space<semaphore_mem>>) src(%arg12 : memref<4096xf32, #tpu.memory_space<vmem>>) dst(%dma_wait3A_16 : memref<4096xf32, #tpu.memory_space<hbm>>)
      tpu.yield
    }) : () -> ()
    return
  }
}

module attributes {stable_mosaic.version = 14 : i64} {
  func.func @_fps_kernel(%arg0: memref<3x8x8192xf32, #tpu.memory_space<vmem>>, %arg1: memref<512x8x3xf32, #tpu.memory_space<vmem>>, %arg2: memref<8x8192xf32, #tpu.memory_space<vmem>>) attributes {dimension_semantics = [], scalar_prefetch = 0 : i64, scratch_operands = 1 : i64, tpu.core_type = #tpu.core_type<tc>} {
    %get3A = arith.constant 0 : index
    %get3A_0 = arith.constant 0 : index
    %get3A_1 = arith.constant 0 : index
    %get3A_2 = vector.load %arg0[%get3A, %get3A_0, %get3A_1] : memref<3x8x8192xf32, #tpu.memory_space<vmem>>, vector<1x8x8192xf32>
    %get3A_3 = vector.shape_cast %get3A_2 : vector<1x8x8192xf32> to vector<8x8192xf32>
    %get3A_4 = arith.constant 1 : index
    %get3A_5 = arith.constant 0 : index
    %get3A_6 = arith.constant 0 : index
    %get3A_7 = vector.load %arg0[%get3A_4, %get3A_5, %get3A_6] : memref<3x8x8192xf32, #tpu.memory_space<vmem>>, vector<1x8x8192xf32>
    %get3A_8 = vector.shape_cast %get3A_7 : vector<1x8x8192xf32> to vector<8x8192xf32>
    %get3A_9 = arith.constant 2 : index
    %get3A_10 = arith.constant 0 : index
    %get3A_11 = arith.constant 0 : index
    %get3A_12 = vector.load %arg0[%get3A_9, %get3A_10, %get3A_11] : memref<3x8x8192xf32, #tpu.memory_space<vmem>>, vector<1x8x8192xf32>
    %get3A_13 = vector.shape_cast %get3A_12 : vector<1x8x8192xf32> to vector<8x8192xf32>
    %broadcast_in_dim3A = arith.constant 1.000000e+10 : f32
    %broadcast_in_dim3A_14 = vector.broadcast %broadcast_in_dim3A : f32 to vector<8x8192xf32>
    %swap3A = arith.constant 0 : index
    %swap3A_15 = arith.constant 0 : index
    %swap3A_16 = vector.load %arg2[%swap3A, %swap3A_15] : memref<8x8192xf32, #tpu.memory_space<vmem>>, vector<8x8192xf32>
    tpu.vector_store %arg2[%swap3A, %swap3A_15], %broadcast_in_dim3A_14 {strides = array<i32>} : memref<8x8192xf32, #tpu.memory_space<vmem>>, vector<8x8192xf32>,
    %iota3A = tpu.iota {dimensions = array<i32: 1>} : vector<8x8192xi32>
    %slice3A = vector.extract_strided_slice %get3A_3 {offsets = [0, 0], sizes = [8, 1], strides = [1, 1]} : vector<8x8192xf32> to vector<8x1xf32>
    %slice3A_17 = vector.extract_strided_slice %get3A_8 {offsets = [0, 0], sizes = [8, 1], strides = [1, 1]} : vector<8x8192xf32> to vector<8x1xf32>
    %slice3A_18 = vector.extract_strided_slice %get3A_13 {offsets = [0, 0], sizes = [8, 1], strides = [1, 1]} : vector<8x8192xf32> to vector<8x1xf32>
    %scan3A = arith.constant 0 : i32
    %scan3A_19 = arith.constant 512 : i32
    %scan3A_20 = arith.addi %scan3A, %scan3A_19 : i32
    %scan3A_21 = arith.constant 1 : i32
    %scan3A_22:3 = scf.for %scan3A_24 = %scan3A to %scan3A_20 step %scan3A_21 iter_args(%scan3A_25 = %slice3A, %scan3A_26 = %slice3A_17, %scan3A_27 = %slice3A_18) -> (vector<8x1xf32>, vector<8x1xf32>, vector<8x1xf32>)  : i32 {
      %concatenate3A = tpu.concatenate %scan3A_25, %scan3A_26, %scan3A_27 in 1 : vector<8x1xf32>, vector<8x1xf32>, vector<8x1xf32> -> vector<8x3xf32>
      %swap3A_28 = arith.index_cast %scan3A_24 : i32 to index
      %swap3A_29 = arith.constant 0 : index
      %swap3A_30 = arith.constant 0 : index
      %swap3A_31 = vector.load %arg1[%swap3A_28, %swap3A_29, %swap3A_30] : memref<512x8x3xf32, #tpu.memory_space<vmem>>, vector<1x8x3xf32>
      %swap3A_32 = vector.shape_cast %swap3A_31 : vector<1x8x3xf32> to vector<8x3xf32>
      %swap3A_33 = vector.shape_cast %concatenate3A : vector<8x3xf32> to vector<1x8x3xf32>
      tpu.vector_store %arg1[%swap3A_28, %swap3A_29, %swap3A_30], %swap3A_33 {strides = array<i32>} : memref<512x8x3xf32, #tpu.memory_space<vmem>>, vector<1x8x3xf32>,
      %sub3A = vector.broadcast %scan3A_25 : vector<8x1xf32> to vector<8x8192xf32>
      %sub3A_34 = arith.subf %get3A_3, %sub3A : vector<8x8192xf32>
      %integer_pow3A = arith.mulf %sub3A_34, %sub3A_34 : vector<8x8192xf32>
      %sub3A_35 = vector.broadcast %scan3A_26 : vector<8x1xf32> to vector<8x8192xf32>
      %sub3A_36 = arith.subf %get3A_8, %sub3A_35 : vector<8x8192xf32>
      %integer_pow3A_37 = arith.mulf %sub3A_36, %sub3A_36 : vector<8x8192xf32>
      %add3A = arith.addf %integer_pow3A, %integer_pow3A_37 : vector<8x8192xf32>
      %sub3A_38 = vector.broadcast %scan3A_27 : vector<8x1xf32> to vector<8x8192xf32>
      %sub3A_39 = arith.subf %get3A_13, %sub3A_38 : vector<8x8192xf32>
      %integer_pow3A_40 = arith.mulf %sub3A_39, %sub3A_39 : vector<8x8192xf32>
      %add3A_41 = arith.addf %add3A, %integer_pow3A_40 : vector<8x8192xf32>
      %get3A_42 = arith.constant 0 : index
      %get3A_43 = arith.constant 0 : index
      %get3A_44 = vector.load %arg2[%get3A_42, %get3A_43] : memref<8x8192xf32, #tpu.memory_space<vmem>>, vector<8x8192xf32>
      %min3A = arith.minimumf %get3A_44, %add3A_41 : vector<8x8192xf32>
      %swap3A_45 = arith.constant 0 : index
      %swap3A_46 = arith.constant 0 : index
      %swap3A_47 = vector.load %arg2[%swap3A_45, %swap3A_46] : memref<8x8192xf32, #tpu.memory_space<vmem>>, vector<8x8192xf32>
      tpu.vector_store %arg2[%swap3A_45, %swap3A_46], %min3A {strides = array<i32>} : memref<8x8192xf32, #tpu.memory_space<vmem>>, vector<8x8192xf32>,
      %reduce_max3A = arith.constant dense<0xFF800000> : vector<8xf32>
      %reduce_max3A_48 = vector.multi_reduction <maximumf>, %min3A, %reduce_max3A [1] : vector<8x8192xf32> to vector<8xf32>
      %broadcast_in_dim3A_49 = vector.shape_cast %reduce_max3A_48 : vector<8xf32> to vector<8x1xf32>
      %eq3A = vector.broadcast %broadcast_in_dim3A_49 : vector<8x1xf32> to vector<8x8192xf32>
      %eq3A_50 = arith.cmpf oeq, %min3A, %eq3A : vector<8x8192xf32>
      %jit3A = arith.constant 8192 : i32
      %broadcast_in_dim3A_51 = vector.broadcast %jit3A : i32 to vector<8x8192xi32>
      %select_n3A = arith.select %eq3A_50, %iota3A, %broadcast_in_dim3A_51 : vector<8x8192xi1>, vector<8x8192xi32>
      %reduce_min3A = arith.constant dense<2147483647> : vector<8xi32>
      %reduce_min3A_52 = vector.multi_reduction <minsi>, %select_n3A, %reduce_min3A [1] : vector<8x8192xi32> to vector<8xi32>
      %broadcast_in_dim3A_53 = vector.shape_cast %reduce_min3A_52 : vector<8xi32> to vector<8x1xi32>
      %eq3A_54 = vector.broadcast %broadcast_in_dim3A_53 : vector<8x1xi32> to vector<8x8192xi32>
      %eq3A_55 = arith.cmpi eq, %iota3A, %eq3A_54 : vector<8x8192xi32>
      %jit3A_56 = arith.constant 0.000000e+00 : f32
      %broadcast_in_dim3A_57 = vector.broadcast %jit3A_56 : f32 to vector<8x8192xf32>
      %select_n3A_58 = arith.select %eq3A_55, %get3A_3, %broadcast_in_dim3A_57 : vector<8x8192xi1>, vector<8x8192xf32>
      %reduce_sum3A = arith.constant dense<0.000000e+00> : vector<8xf32>
      %reduce_sum3A_59 = vector.multi_reduction <add>, %select_n3A_58, %reduce_sum3A [1] : vector<8x8192xf32> to vector<8xf32>
      %broadcast_in_dim3A_60 = vector.shape_cast %reduce_sum3A_59 : vector<8xf32> to vector<8x1xf32>
      %jit3A_61 = arith.constant 0.000000e+00 : f32
      %broadcast_in_dim3A_62 = vector.broadcast %jit3A_61 : f32 to vector<8x8192xf32>
      %select_n3A_63 = arith.select %eq3A_55, %get3A_8, %broadcast_in_dim3A_62 : vector<8x8192xi1>, vector<8x8192xf32>
      %reduce_sum3A_64 = arith.constant dense<0.000000e+00> : vector<8xf32>
      %reduce_sum3A_65 = vector.multi_reduction <add>, %select_n3A_63, %reduce_sum3A_64 [1] : vector<8x8192xf32> to vector<8xf32>
      %broadcast_in_dim3A_66 = vector.shape_cast %reduce_sum3A_65 : vector<8xf32> to vector<8x1xf32>
      %jit3A_67 = arith.constant 0.000000e+00 : f32
      %broadcast_in_dim3A_68 = vector.broadcast %jit3A_67 : f32 to vector<8x8192xf32>
      %select_n3A_69 = arith.select %eq3A_55, %get3A_13, %broadcast_in_dim3A_68 : vector<8x8192xi1>, vector<8x8192xf32>
      %reduce_sum3A_70 = arith.constant dense<0.000000e+00> : vector<8xf32>
      %reduce_sum3A_71 = vector.multi_reduction <add>, %select_n3A_69, %reduce_sum3A_70 [1] : vector<8x8192xf32> to vector<8xf32>
      %broadcast_in_dim3A_72 = vector.shape_cast %reduce_sum3A_71 : vector<8xf32> to vector<8x1xf32>
      scf.yield %broadcast_in_dim3A_60, %broadcast_in_dim3A_66, %broadcast_in_dim3A_72 : vector<8x1xf32>, vector<8x1xf32>, vector<8x1xf32>
    }
    %scan3A_23 = arith.constant 512 : i32
    return
  }
}

module attributes {stable_mosaic.version = 14 : i64} {
  func.func @_knn_kernel(%arg0: i32, %arg1: i32, %arg2: memref<1x3x8192xf32, #tpu.memory_space<vmem>>, %arg3: memref<1x8x3xf32, #tpu.memory_space<vmem>>, %arg4: memref<1x1x32x8x1xi32, #tpu.memory_space<vmem>>) attributes {dimension_semantics = [#tpu.dimension_semantics<parallel>, #tpu.dimension_semantics<parallel>], iteration_bounds = array<i64: 8, 64>, scalar_prefetch = 0 : i64, scratch_operands = 0 : i64, tpu.core_type = #tpu.core_type<tc>, window_params = [{transform_indices = @transform_0, window_bounds = array<i64: 1, 3, 8192>}, {transform_indices = @transform_1, window_bounds = array<i64: 1, 8, 3>}, {transform_indices = @transform_2, window_bounds = array<i64: 1, 1, 32, 8, 1>}]} {
    %get3A = arith.constant 0 : index
    %get3A_0 = arith.constant 0 : index
    %get3A_1 = arith.constant 0 : index
    %get3A_2 = vector.load %arg2[%get3A, %get3A_0, %get3A_1] : memref<1x3x8192xf32, #tpu.memory_space<vmem>>, vector<1x1x8192xf32>
    %get3A_3 = vector.shape_cast %get3A_2 : vector<1x1x8192xf32> to vector<1x8192xf32>
    %get3A_4 = arith.constant 0 : index
    %get3A_5 = arith.constant 1 : index
    %get3A_6 = arith.constant 0 : index
    %get3A_7 = vector.load %arg2[%get3A_4, %get3A_5, %get3A_6] : memref<1x3x8192xf32, #tpu.memory_space<vmem>>, vector<1x1x8192xf32>
    %get3A_8 = vector.shape_cast %get3A_7 : vector<1x1x8192xf32> to vector<1x8192xf32>
    %get3A_9 = arith.constant 0 : index
    %get3A_10 = arith.constant 2 : index
    %get3A_11 = arith.constant 0 : index
    %get3A_12 = vector.load %arg2[%get3A_9, %get3A_10, %get3A_11] : memref<1x3x8192xf32, #tpu.memory_space<vmem>>, vector<1x1x8192xf32>
    %get3A_13 = vector.shape_cast %get3A_12 : vector<1x1x8192xf32> to vector<1x8192xf32>
    %get3A_14 = arith.constant 0 : index
    %get3A_15 = arith.constant 0 : index
    %get3A_16 = arith.constant 0 : index
    %get3A_17 = vector.load %arg3[%get3A_14, %get3A_15, %get3A_16] : memref<1x8x3xf32, #tpu.memory_space<vmem>>, vector<1x8x3xf32>
    %get3A_18 = vector.shape_cast %get3A_17 : vector<1x8x3xf32> to vector<8x3xf32>
    %slice3A = vector.extract_strided_slice %get3A_18 {offsets = [0, 0], sizes = [8, 1], strides = [1, 1]} : vector<8x3xf32> to vector<8x1xf32>
    %slice3A_19 = vector.extract_strided_slice %get3A_18 {offsets = [0, 1], sizes = [8, 1], strides = [1, 1]} : vector<8x3xf32> to vector<8x1xf32>
    %slice3A_20 = vector.extract_strided_slice %get3A_18 {offsets = [0, 2], sizes = [8, 1], strides = [1, 1]} : vector<8x3xf32> to vector<8x1xf32>
    %mul3A = arith.mulf %get3A_3, %get3A_3 : vector<1x8192xf32>
    %mul3A_21 = arith.mulf %get3A_8, %get3A_8 : vector<1x8192xf32>
    %add3A = arith.addf %mul3A, %mul3A_21 : vector<1x8192xf32>
    %mul3A_22 = arith.mulf %get3A_13, %get3A_13 : vector<1x8192xf32>
    %add3A_23 = arith.addf %add3A, %mul3A_22 : vector<1x8192xf32>
    %mul3A_24 = arith.mulf %slice3A, %slice3A : vector<8x1xf32>
    %mul3A_25 = arith.mulf %slice3A_19, %slice3A_19 : vector<8x1xf32>
    %add3A_26 = arith.addf %mul3A_24, %mul3A_25 : vector<8x1xf32>
    %mul3A_27 = arith.mulf %slice3A_20, %slice3A_20 : vector<8x1xf32>
    %add3A_28 = arith.addf %add3A_26, %mul3A_27 : vector<8x1xf32>
    %get3A_29 = arith.constant 0 : index
    %get3A_30 = arith.constant 0 : index
    %get3A_31 = arith.constant 0 : index
    %get3A_32 = vector.load %arg2[%get3A_29, %get3A_30, %get3A_31] : memref<1x3x8192xf32, #tpu.memory_space<vmem>>, vector<1x3x8192xf32>
    %get3A_33 = vector.shape_cast %get3A_32 : vector<1x3x8192xf32> to vector<3x8192xf32>
    %dot_general3A = arith.constant dense<0.000000e+00> : vector<8x8192xf32>
    %dot_general3A_34 = tpu.matmul %get3A_18, %get3A_33, %dot_general3A {dimension_numbers = #tpu.dot_dimension_numbers<[1], [0], [0], [1], [0, 0, 1, 1], [], []>, transpose_lhs_hint = false} : vector<8x3xf32>, vector<3x8192xf32>, vector<8x8192xf32> -> vector<8x8192xf32>
    %add3A_35 = vector.broadcast %add3A_28 : vector<8x1xf32> to vector<8x8192xf32>
    %add3A_36 = vector.broadcast %add3A_23 : vector<1x8192xf32> to vector<8x8192xf32>
    %add3A_37 = arith.addf %add3A_35, %add3A_36 : vector<8x8192xf32>
    %mul3A_38 = arith.constant 2.000000e+00 : f32
    %mul3A_39 = vector.broadcast %mul3A_38 : f32 to vector<8x8192xf32>
    %mul3A_40 = arith.mulf %mul3A_39, %dot_general3A_34 : vector<8x8192xf32>
    %sub3A = arith.subf %add3A_37, %mul3A_40 : vector<8x8192xf32>
    %iota3A = tpu.iota {dimensions = array<i32: 1>} : vector<8x8192xi32>
    %reduce_min3A = arith.constant dense<0x7F800000> : vector<8xf32>
    %reduce_min3A_41 = vector.multi_reduction <minimumf>, %sub3A, %reduce_min3A [1] : vector<8x8192xf32> to vector<8xf32>
    %broadcast_in_dim3A = vector.shape_cast %reduce_min3A_41 : vector<8xf32> to vector<8x1xf32>
    %eq3A = vector.broadcast %broadcast_in_dim3A : vector<8x1xf32> to vector<8x8192xf32>
    %eq3A_42 = arith.cmpf oeq, %sub3A, %eq3A : vector<8x8192xf32>
    %jit3A = arith.constant 8192 : i32
    %broadcast_in_dim3A_43 = vector.broadcast %jit3A : i32 to vector<8x8192xi32>
    %select_n3A = arith.select %eq3A_42, %iota3A, %broadcast_in_dim3A_43 : vector<8x8192xi1>, vector<8x8192xi32>
    %reduce_min3A_44 = arith.constant dense<2147483647> : vector<8xi32>
    %reduce_min3A_45 = vector.multi_reduction <minsi>, %select_n3A, %reduce_min3A_44 [1] : vector<8x8192xi32> to vector<8xi32>
    %broadcast_in_dim3A_46 = vector.shape_cast %reduce_min3A_45 : vector<8xi32> to vector<8x1xi32>
    %swap3A = arith.constant 0 : index
    %swap3A_47 = arith.constant 0 : index
    %swap3A_48 = arith.constant 0 : index
    %swap3A_49 = arith.constant 0 : index
    %swap3A_50 = arith.constant 0 : index
    %swap3A_51 = vector.load %arg4[%swap3A, %swap3A_47, %swap3A_48, %swap3A_49, %swap3A_50] : memref<1x1x32x8x1xi32, #tpu.memory_space<vmem>>, vector<1x1x1x8x1xi32>
    %swap3A_52 = vector.shape_cast %swap3A_51 : vector<1x1x1x8x1xi32> to vector<8x1xi32>
    %swap3A_53 = vector.shape_cast %broadcast_in_dim3A_46 : vector<8x1xi32> to vector<1x1x1x8x1xi32>
    tpu.vector_store %arg4[%swap3A, %swap3A_47, %swap3A_48, %swap3A_49, %swap3A_50], %swap3A_53 {strides = array<i32>} : memref<1x1x32x8x1xi32, #tpu.memory_space<vmem>>, vector<1x1x1x8x1xi32>,
    %eq3A_54 = vector.broadcast %broadcast_in_dim3A_46 : vector<8x1xi32> to vector<8x8192xi32>
    %eq3A_55 = arith.cmpi eq, %iota3A, %eq3A_54 : vector<8x8192xi32>
    %jit3A_56 = arith.constant 0x7F800000 : f32
    %broadcast_in_dim3A_57 = vector.broadcast %jit3A_56 : f32 to vector<8x8192xf32>
    %select_n3A_58 = arith.select %eq3A_55, %broadcast_in_dim3A_57, %sub3A : vector<8x8192xi1>, vector<8x8192xf32>
    %reduce_min3A_59 = arith.constant dense<0x7F800000> : vector<8xf32>
    %reduce_min3A_60 = vector.multi_reduction <minimumf>, %select_n3A_58, %reduce_min3A_59 [1] : vector<8x8192xf32> to vector<8xf32>
    %broadcast_in_dim3A_61 = vector.shape_cast %reduce_min3A_60 : vector<8xf32> to vector<8x1xf32>
    %eq3A_62 = vector.broadcast %broadcast_in_dim3A_61 : vector<8x1xf32> to vector<8x8192xf32>
    %eq3A_63 = arith.cmpf oeq, %select_n3A_58, %eq3A_62 : vector<8x8192xf32>
    %jit3A_64 = arith.constant 8192 : i32
    %broadcast_in_dim3A_65 = vector.broadcast %jit3A_64 : i32 to vector<8x8192xi32>
    %select_n3A_66 = arith.select %eq3A_63, %iota3A, %broadcast_in_dim3A_65 : vector<8x8192xi1>, vector<8x8192xi32>
    %reduce_min3A_67 = arith.constant dense<2147483647> : vector<8xi32>
    %reduce_min3A_68 = vector.multi_reduction <minsi>, %select_n3A_66, %reduce_min3A_67 [1] : vector<8x8192xi32> to vector<8xi32>
    %broadcast_in_dim3A_69 = vector.shape_cast %reduce_min3A_68 : vector<8xi32> to vector<8x1xi32>
    %swap3A_70 = arith.constant 0 : index
    %swap3A_71 = arith.constant 0 : index
    %swap3A_72 = arith.constant 1 : index
    %swap3A_73 = arith.constant 0 : index
    %swap3A_74 = arith.constant 0 : index
    %swap3A_75 = vector.load %arg4[%swap3A_70, %swap3A_71, %swap3A_72, %swap3A_73, %swap3A_74] : memref<1x1x32x8x1xi32, #tpu.memory_space<vmem>>, vector<1x1x1x8x1xi32>
    %swap3A_76 = vector.shape_cast %swap3A_75 : vector<1x1x1x8x1xi32> to vector<8x1xi32>
    %swap3A_77 = vector.shape_cast %broadcast_in_dim3A_69 : vector<8x1xi32> to vector<1x1x1x8x1xi32>
    tpu.vector_store %arg4[%swap3A_70, %swap3A_71, %swap3A_72, %swap3A_73, %swap3A_74], %swap3A_77 {strides = array<i32>} : memref<1x1x32x8x1xi32, #tpu.memory_space<vmem>>, vector<1x1x1x8x1xi32>,
    %eq3A_78 = vector.broadcast %broadcast_in_dim3A_69 : vector<8x1xi32> to vector<8x8192xi32>
    %eq3A_79 = arith.cmpi eq, %iota3A, %eq3A_78 : vector<8x8192xi32>
    %jit3A_80 = arith.constant 0x7F800000 : f32
    %broadcast_in_dim3A_81 = vector.broadcast %jit3A_80 : f32 to vector<8x8192xf32>
    %select_n3A_82 = arith.select %eq3A_79, %broadcast_in_dim3A_81, %select_n3A_58 : vector<8x8192xi1>, vector<8x8192xf32>
    %reduce_min3A_83 = arith.constant dense<0x7F800000> : vector<8xf32>
    %reduce_min3A_84 = vector.multi_reduction <minimumf>, %select_n3A_82, %reduce_min3A_83 [1] : vector<8x8192xf32> to vector<8xf32>
    %broadcast_in_dim3A_85 = vector.shape_cast %reduce_min3A_84 : vector<8xf32> to vector<8x1xf32>
    %eq3A_86 = vector.broadcast %broadcast_in_dim3A_85 : vector<8x1xf32> to vector<8x8192xf32>
    %eq3A_87 = arith.cmpf oeq, %select_n3A_82, %eq3A_86 : vector<8x8192xf32>
    %jit3A_88 = arith.constant 8192 : i32
    %broadcast_in_dim3A_89 = vector.broadcast %jit3A_88 : i32 to vector<8x8192xi32>
    %select_n3A_90 = arith.select %eq3A_87, %iota3A, %broadcast_in_dim3A_89 : vector<8x8192xi1>, vector<8x8192xi32>
    %reduce_min3A_91 = arith.constant dense<2147483647> : vector<8xi32>
    %reduce_min3A_92 = vector.multi_reduction <minsi>, %select_n3A_90, %reduce_min3A_91 [1] : vector<8x8192xi32> to vector<8xi32>
    %broadcast_in_dim3A_93 = vector.shape_cast %reduce_min3A_92 : vector<8xi32> to vector<8x1xi32>
    %swap3A_94 = arith.constant 0 : index
    %swap3A_95 = arith.constant 0 : index
    %swap3A_96 = arith.constant 2 : index
    %swap3A_97 = arith.constant 0 : index
    %swap3A_98 = arith.constant 0 : index
    %swap3A_99 = vector.load %arg4[%swap3A_94, %swap3A_95, %swap3A_96, %swap3A_97, %swap3A_98] : memref<1x1x32x8x1xi32, #tpu.memory_space<vmem>>, vector<1x1x1x8x1xi32>
    %swap3A_100 = vector.shape_cast %swap3A_99 : vector<1x1x1x8x1xi32> to vector<8x1xi32>
    %swap3A_101 = vector.shape_cast %broadcast_in_dim3A_93 : vector<8x1xi32> to vector<1x1x1x8x1xi32>
    tpu.vector_store %arg4[%swap3A_94, %swap3A_95, %swap3A_96, %swap3A_97, %swap3A_98], %swap3A_101 {strides = array<i32>} : memref<1x1x32x8x1xi32, #tpu.memory_space<vmem>>, vector<1x1x1x8x1xi32>,
    %eq3A_102 = vector.broadcast %broadcast_in_dim3A_93 : vector<8x1xi32> to vector<8x8192xi32>
    %eq3A_103 = arith.cmpi eq, %iota3A, %eq3A_102 : vector<8x8192xi32>
    %jit3A_104 = arith.constant 0x7F800000 : f32
    %broadcast_in_dim3A_105 = vector.broadcast %jit3A_104 : f32 to vector<8x8192xf32>
    %select_n3A_106 = arith.select %eq3A_103, %broadcast_in_dim3A_105, %select_n3A_82 : vector<8x8192xi1>, vector<8x8192xf32>
    %reduce_min3A_107 = arith.constant dense<0x7F800000> : vector<8xf32>
    %reduce_min3A_108 = vector.multi_reduction <minimumf>, %select_n3A_106, %reduce_min3A_107 [1] : vector<8x8192xf32> to vector<8xf32>
    %broadcast_in_dim3A_109 = vector.shape_cast %reduce_min3A_108 : vector<8xf32> to vector<8x1xf32>
    %eq3A_110 = vector.broadcast %broadcast_in_dim3A_109 : vector<8x1xf32> to vector<8x8192xf32>
    %eq3A_111 = arith.cmpf oeq, %select_n3A_106, %eq3A_110 : vector<8x8192xf32>
    %jit3A_112 = arith.constant 8192 : i32
    %broadcast_in_dim3A_113 = vector.broadcast %jit3A_112 : i32 to vector<8x8192xi32>
    %select_n3A_114 = arith.select %eq3A_111, %iota3A, %broadcast_in_dim3A_113 : vector<8x8192xi1>, vector<8x8192xi32>
    %reduce_min3A_115 = arith.constant dense<2147483647> : vector<8xi32>
    %reduce_min3A_116 = vector.multi_reduction <minsi>, %select_n3A_114, %reduce_min3A_115 [1] : vector<8x8192xi32> to vector<8xi32>
    %broadcast_in_dim3A_117 = vector.shape_cast %reduce_min3A_116 : vector<8xi32> to vector<8x1xi32>
    %swap3A_118 = arith.constant 0 : index
    %swap3A_119 = arith.constant 0 : index
    %swap3A_120 = arith.constant 3 : index
    %swap3A_121 = arith.constant 0 : index
    %swap3A_122 = arith.constant 0 : index
    %swap3A_123 = vector.load %arg4[%swap3A_118, %swap3A_119, %swap3A_120, %swap3A_121, %swap3A_122] : memref<1x1x32x8x1xi32, #tpu.memory_space<vmem>>, vector<1x1x1x8x1xi32>
    %swap3A_124 = vector.shape_cast %swap3A_123 : vector<1x1x1x8x1xi32> to vector<8x1xi32>
    %swap3A_125 = vector.shape_cast %broadcast_in_dim3A_117 : vector<8x1xi32> to vector<1x1x1x8x1xi32>
    tpu.vector_store %arg4[%swap3A_118, %swap3A_119, %swap3A_120, %swap3A_121, %swap3A_122], %swap3A_125 {strides = array<i32>} : memref<1x1x32x8x1xi32, #tpu.memory_space<vmem>>, vector<1x1x1x8x1xi32>,
    %eq3A_126 = vector.broadcast %broadcast_in_dim3A_117 : vector<8x1xi32> to vector<8x8192xi32>
    %eq3A_127 = arith.cmpi eq, %iota3A, %eq3A_126 : vector<8x8192xi32>
    %jit3A_128 = arith.constant 0x7F800000 : f32
    %broadcast_in_dim3A_129 = vector.broadcast %jit3A_128 : f32 to vector<8x8192xf32>
    %select_n3A_130 = arith.select %eq3A_127, %broadcast_in_dim3A_129, %select_n3A_106 : vector<8x8192xi1>, vector<8x8192xf32>
    %reduce_min3A_131 = arith.constant dense<0x7F800000> : vector<8xf32>
    %reduce_min3A_132 = vector.multi_reduction <minimumf>, %select_n3A_130, %reduce_min3A_131 [1] : vector<8x8192xf32> to vector<8xf32>
    %broadcast_in_dim3A_133 = vector.shape_cast %reduce_min3A_132 : vector<8xf32> to vector<8x1xf32>
    %eq3A_134 = vector.broadcast %broadcast_in_dim3A_133 : vector<8x1xf32> to vector<8x8192xf32>
    %eq3A_135 = arith.cmpf oeq, %select_n3A_130, %eq3A_134 : vector<8x8192xf32>
    %jit3A_136 = arith.constant 8192 : i32
    %broadcast_in_dim3A_137 = vector.broadcast %jit3A_136 : i32 to vector<8x8192xi32>
    %select_n3A_138 = arith.select %eq3A_135, %iota3A, %broadcast_in_dim3A_137 : vector<8x8192xi1>, vector<8x8192xi32>
    %reduce_min3A_139 = arith.constant dense<2147483647> : vector<8xi32>
    %reduce_min3A_140 = vector.multi_reduction <minsi>, %select_n3A_138, %reduce_min3A_139 [1] : vector<8x8192xi32> to vector<8xi32>
    %broadcast_in_dim3A_141 = vector.shape_cast %reduce_min3A_140 : vector<8xi32> to vector<8x1xi32>
    %swap3A_142 = arith.constant 0 : index
    %swap3A_143 = arith.constant 0 : index
    %swap3A_144 = arith.constant 4 : index
    %swap3A_145 = arith.constant 0 : index
    %swap3A_146 = arith.constant 0 : index
    %swap3A_147 = vector.load %arg4[%swap3A_142, %swap3A_143, %swap3A_144, %swap3A_145, %swap3A_146] : memref<1x1x32x8x1xi32, #tpu.memory_space<vmem>>, vector<1x1x1x8x1xi32>
    %swap3A_148 = vector.shape_cast %swap3A_147 : vector<1x1x1x8x1xi32> to vector<8x1xi32>
    %swap3A_149 = vector.shape_cast %broadcast_in_dim3A_141 : vector<8x1xi32> to vector<1x1x1x8x1xi32>
    tpu.vector_store %arg4[%swap3A_142, %swap3A_143, %swap3A_144, %swap3A_145, %swap3A_146], %swap3A_149 {strides = array<i32>} : memref<1x1x32x8x1xi32, #tpu.memory_space<vmem>>, vector<1x1x1x8x1xi32>,
    %eq3A_150 = vector.broadcast %broadcast_in_dim3A_141 : vector<8x1xi32> to vector<8x8192xi32>
    %eq3A_151 = arith.cmpi eq, %iota3A, %eq3A_150 : vector<8x8192xi32>
    %jit3A_152 = arith.constant 0x7F800000 : f32
    %broadcast_in_dim3A_153 = vector.broadcast %jit3A_152 : f32 to vector<8x8192xf32>
    %select_n3A_154 = arith.select %eq3A_151, %broadcast_in_dim3A_153, %select_n3A_130 : vector<8x8192xi1>, vector<8x8192xf32>
    %reduce_min3A_155 = arith.constant dense<0x7F800000> : vector<8xf32>
    %reduce_min3A_156 = vector.multi_reduction <minimumf>, %select_n3A_154, %reduce_min3A_155 [1] : vector<8x8192xf32> to vector<8xf32>
    %broadcast_in_dim3A_157 = vector.shape_cast %reduce_min3A_156 : vector<8xf32> to vector<8x1xf32>
    %eq3A_158 = vector.broadcast %broadcast_in_dim3A_157 : vector<8x1xf32> to vector<8x8192xf32>
    %eq3A_159 = arith.cmpf oeq, %select_n3A_154, %eq3A_158 : vector<8x8192xf32>
    %jit3A_160 = arith.constant 8192 : i32
    %broadcast_in_dim3A_161 = vector.broadcast %jit3A_160 : i32 to vector<8x8192xi32>
    %select_n3A_162 = arith.select %eq3A_159, %iota3A, %broadcast_in_dim3A_161 : vector<8x8192xi1>, vector<8x8192xi32>
    %reduce_min3A_163 = arith.constant dense<2147483647> : vector<8xi32>
    %reduce_min3A_164 = vector.multi_reduction <minsi>, %select_n3A_162, %reduce_min3A_163 [1] : vector<8x8192xi32> to vector<8xi32>
    %broadcast_in_dim3A_165 = vector.shape_cast %reduce_min3A_164 : vector<8xi32> to vector<8x1xi32>
    %swap3A_166 = arith.constant 0 : index
    %swap3A_167 = arith.constant 0 : index
    %swap3A_168 = arith.constant 5 : index
    %swap3A_169 = arith.constant 0 : index
    %swap3A_170 = arith.constant 0 : index
    %swap3A_171 = vector.load %arg4[%swap3A_166, %swap3A_167, %swap3A_168, %swap3A_169, %swap3A_170] : memref<1x1x32x8x1xi32, #tpu.memory_space<vmem>>, vector<1x1x1x8x1xi32>
    %swap3A_172 = vector.shape_cast %swap3A_171 : vector<1x1x1x8x1xi32> to vector<8x1xi32>
    %swap3A_173 = vector.shape_cast %broadcast_in_dim3A_165 : vector<8x1xi32> to vector<1x1x1x8x1xi32>
    tpu.vector_store %arg4[%swap3A_166, %swap3A_167, %swap3A_168, %swap3A_169, %swap3A_170], %swap3A_173 {strides = array<i32>} : memref<1x1x32x8x1xi32, #tpu.memory_space<vmem>>, vector<1x1x1x8x1xi32>,
    %eq3A_174 = vector.broadcast %broadcast_in_dim3A_165 : vector<8x1xi32> to vector<8x8192xi32>
    %eq3A_175 = arith.cmpi eq, %iota3A, %eq3A_174 : vector<8x8192xi32>
    %jit3A_176 = arith.constant 0x7F800000 : f32
    %broadcast_in_dim3A_177 = vector.broadcast %jit3A_176 : f32 to vector<8x8192xf32>
    %select_n3A_178 = arith.select %eq3A_175, %broadcast_in_dim3A_177, %select_n3A_154 : vector<8x8192xi1>, vector<8x8192xf32>
    %reduce_min3A_179 = arith.constant dense<0x7F800000> : vector<8xf32>
    %reduce_min3A_180 = vector.multi_reduction <minimumf>, %select_n3A_178, %reduce_min3A_179 [1] : vector<8x8192xf32> to vector<8xf32>
    %broadcast_in_dim3A_181 = vector.shape_cast %reduce_min3A_180 : vector<8xf32> to vector<8x1xf32>
    %eq3A_182 = vector.broadcast %broadcast_in_dim3A_181 : vector<8x1xf32> to vector<8x8192xf32>
    %eq3A_183 = arith.cmpf oeq, %select_n3A_178, %eq3A_182 : vector<8x8192xf32>
    %jit3A_184 = arith.constant 8192 : i32
    %broadcast_in_dim3A_185 = vector.broadcast %jit3A_184 : i32 to vector<8x8192xi32>
    %select_n3A_186 = arith.select %eq3A_183, %iota3A, %broadcast_in_dim3A_185 : vector<8x8192xi1>, vector<8x8192xi32>
    %reduce_min3A_187 = arith.constant dense<2147483647> : vector<8xi32>
    %reduce_min3A_188 = vector.multi_reduction <minsi>, %select_n3A_186, %reduce_min3A_187 [1] : vector<8x8192xi32> to vector<8xi32>
    %broadcast_in_dim3A_189 = vector.shape_cast %reduce_min3A_188 : vector<8xi32> to vector<8x1xi32>
    %swap3A_190 = arith.constant 0 : index
    %swap3A_191 = arith.constant 0 : index
    %swap3A_192 = arith.constant 6 : index
    %swap3A_193 = arith.constant 0 : index
    %swap3A_194 = arith.constant 0 : index
    %swap3A_195 = vector.load %arg4[%swap3A_190, %swap3A_191, %swap3A_192, %swap3A_193, %swap3A_194] : memref<1x1x32x8x1xi32, #tpu.memory_space<vmem>>, vector<1x1x1x8x1xi32>
    %swap3A_196 = vector.shape_cast %swap3A_195 : vector<1x1x1x8x1xi32> to vector<8x1xi32>
    %swap3A_197 = vector.shape_cast %broadcast_in_dim3A_189 : vector<8x1xi32> to vector<1x1x1x8x1xi32>
    tpu.vector_store %arg4[%swap3A_190, %swap3A_191, %swap3A_192, %swap3A_193, %swap3A_194], %swap3A_197 {strides = array<i32>} : memref<1x1x32x8x1xi32, #tpu.memory_space<vmem>>, vector<1x1x1x8x1xi32>,
    %eq3A_198 = vector.broadcast %broadcast_in_dim3A_189 : vector<8x1xi32> to vector<8x8192xi32>
    %eq3A_199 = arith.cmpi eq, %iota3A, %eq3A_198 : vector<8x8192xi32>
    %jit3A_200 = arith.constant 0x7F800000 : f32
    %broadcast_in_dim3A_201 = vector.broadcast %jit3A_200 : f32 to vector<8x8192xf32>
    %select_n3A_202 = arith.select %eq3A_199, %broadcast_in_dim3A_201, %select_n3A_178 : vector<8x8192xi1>, vector<8x8192xf32>
    %reduce_min3A_203 = arith.constant dense<0x7F800000> : vector<8xf32>
    %reduce_min3A_204 = vector.multi_reduction <minimumf>, %select_n3A_202, %reduce_min3A_203 [1] : vector<8x8192xf32> to vector<8xf32>
    %broadcast_in_dim3A_205 = vector.shape_cast %reduce_min3A_204 : vector<8xf32> to vector<8x1xf32>
    %eq3A_206 = vector.broadcast %broadcast_in_dim3A_205 : vector<8x1xf32> to vector<8x8192xf32>
    %eq3A_207 = arith.cmpf oeq, %select_n3A_202, %eq3A_206 : vector<8x8192xf32>
    %jit3A_208 = arith.constant 8192 : i32
    %broadcast_in_dim3A_209 = vector.broadcast %jit3A_208 : i32 to vector<8x8192xi32>
    %select_n3A_210 = arith.select %eq3A_207, %iota3A, %broadcast_in_dim3A_209 : vector<8x8192xi1>, vector<8x8192xi32>
    %reduce_min3A_211 = arith.constant dense<2147483647> : vector<8xi32>
    %reduce_min3A_212 = vector.multi_reduction <minsi>, %select_n3A_210, %reduce_min3A_211 [1] : vector<8x8192xi32> to vector<8xi32>
    %broadcast_in_dim3A_213 = vector.shape_cast %reduce_min3A_212 : vector<8xi32> to vector<8x1xi32>
    %swap3A_214 = arith.constant 0 : index
    %swap3A_215 = arith.constant 0 : index
    %swap3A_216 = arith.constant 7 : index
    %swap3A_217 = arith.constant 0 : index
    %swap3A_218 = arith.constant 0 : index
    %swap3A_219 = vector.load %arg4[%swap3A_214, %swap3A_215, %swap3A_216, %swap3A_217, %swap3A_218] : memref<1x1x32x8x1xi32, #tpu.memory_space<vmem>>, vector<1x1x1x8x1xi32>
    %swap3A_220 = vector.shape_cast %swap3A_219 : vector<1x1x1x8x1xi32> to vector<8x1xi32>
    %swap3A_221 = vector.shape_cast %broadcast_in_dim3A_213 : vector<8x1xi32> to vector<1x1x1x8x1xi32>
    tpu.vector_store %arg4[%swap3A_214, %swap3A_215, %swap3A_216, %swap3A_217, %swap3A_218], %swap3A_221 {strides = array<i32>} : memref<1x1x32x8x1xi32, #tpu.memory_space<vmem>>, vector<1x1x1x8x1xi32>,
    %eq3A_222 = vector.broadcast %broadcast_in_dim3A_213 : vector<8x1xi32> to vector<8x8192xi32>
    %eq3A_223 = arith.cmpi eq, %iota3A, %eq3A_222 : vector<8x8192xi32>
    %jit3A_224 = arith.constant 0x7F800000 : f32
    %broadcast_in_dim3A_225 = vector.broadcast %jit3A_224 : f32 to vector<8x8192xf32>
    %select_n3A_226 = arith.select %eq3A_223, %broadcast_in_dim3A_225, %select_n3A_202 : vector<8x8192xi1>, vector<8x8192xf32>
    %reduce_min3A_227 = arith.constant dense<0x7F800000> : vector<8xf32>
    %reduce_min3A_228 = vector.multi_reduction <minimumf>, %select_n3A_226, %reduce_min3A_227 [1] : vector<8x8192xf32> to vector<8xf32>
    %broadcast_in_dim3A_229 = vector.shape_cast %reduce_min3A_228 : vector<8xf32> to vector<8x1xf32>
    %eq3A_230 = vector.broadcast %broadcast_in_dim3A_229 : vector<8x1xf32> to vector<8x8192xf32>
    %eq3A_231 = arith.cmpf oeq, %select_n3A_226, %eq3A_230 : vector<8x8192xf32>
    %jit3A_232 = arith.constant 8192 : i32
    %broadcast_in_dim3A_233 = vector.broadcast %jit3A_232 : i32 to vector<8x8192xi32>
    %select_n3A_234 = arith.select %eq3A_231, %iota3A, %broadcast_in_dim3A_233 : vector<8x8192xi1>, vector<8x8192xi32>
    %reduce_min3A_235 = arith.constant dense<2147483647> : vector<8xi32>
    %reduce_min3A_236 = vector.multi_reduction <minsi>, %select_n3A_234, %reduce_min3A_235 [1] : vector<8x8192xi32> to vector<8xi32>
    %broadcast_in_dim3A_237 = vector.shape_cast %reduce_min3A_236 : vector<8xi32> to vector<8x1xi32>
    %swap3A_238 = arith.constant 0 : index
    %swap3A_239 = arith.constant 0 : index
    %swap3A_240 = arith.constant 8 : index
    %swap3A_241 = arith.constant 0 : index
    %swap3A_242 = arith.constant 0 : index
    %swap3A_243 = vector.load %arg4[%swap3A_238, %swap3A_239, %swap3A_240, %swap3A_241, %swap3A_242] : memref<1x1x32x8x1xi32, #tpu.memory_space<vmem>>, vector<1x1x1x8x1xi32>
    %swap3A_244 = vector.shape_cast %swap3A_243 : vector<1x1x1x8x1xi32> to vector<8x1xi32>
    %swap3A_245 = vector.shape_cast %broadcast_in_dim3A_237 : vector<8x1xi32> to vector<1x1x1x8x1xi32>
    tpu.vector_store %arg4[%swap3A_238, %swap3A_239, %swap3A_240, %swap3A_241, %swap3A_242], %swap3A_245 {strides = array<i32>} : memref<1x1x32x8x1xi32, #tpu.memory_space<vmem>>, vector<1x1x1x8x1xi32>,
    %eq3A_246 = vector.broadcast %broadcast_in_dim3A_237 : vector<8x1xi32> to vector<8x8192xi32>
    %eq3A_247 = arith.cmpi eq, %iota3A, %eq3A_246 : vector<8x8192xi32>
    %jit3A_248 = arith.constant 0x7F800000 : f32
    %broadcast_in_dim3A_249 = vector.broadcast %jit3A_248 : f32 to vector<8x8192xf32>
    %select_n3A_250 = arith.select %eq3A_247, %broadcast_in_dim3A_249, %select_n3A_226 : vector<8x8192xi1>, vector<8x8192xf32>
    %reduce_min3A_251 = arith.constant dense<0x7F800000> : vector<8xf32>
    %reduce_min3A_252 = vector.multi_reduction <minimumf>, %select_n3A_250, %reduce_min3A_251 [1] : vector<8x8192xf32> to vector<8xf32>
    %broadcast_in_dim3A_253 = vector.shape_cast %reduce_min3A_252 : vector<8xf32> to vector<8x1xf32>
    %eq3A_254 = vector.broadcast %broadcast_in_dim3A_253 : vector<8x1xf32> to vector<8x8192xf32>
    %eq3A_255 = arith.cmpf oeq, %select_n3A_250, %eq3A_254 : vector<8x8192xf32>
    %jit3A_256 = arith.constant 8192 : i32
    %broadcast_in_dim3A_257 = vector.broadcast %jit3A_256 : i32 to vector<8x8192xi32>
    %select_n3A_258 = arith.select %eq3A_255, %iota3A, %broadcast_in_dim3A_257 : vector<8x8192xi1>, vector<8x8192xi32>
    %reduce_min3A_259 = arith.constant dense<2147483647> : vector<8xi32>
    %reduce_min3A_260 = vector.multi_reduction <minsi>, %select_n3A_258, %reduce_min3A_259 [1] : vector<8x8192xi32> to vector<8xi32>
    %broadcast_in_dim3A_261 = vector.shape_cast %reduce_min3A_260 : vector<8xi32> to vector<8x1xi32>
    %swap3A_262 = arith.constant 0 : index
    %swap3A_263 = arith.constant 0 : index
    %swap3A_264 = arith.constant 9 : index
    %swap3A_265 = arith.constant 0 : index
    %swap3A_266 = arith.constant 0 : index
    %swap3A_267 = vector.load %arg4[%swap3A_262, %swap3A_263, %swap3A_264, %swap3A_265, %swap3A_266] : memref<1x1x32x8x1xi32, #tpu.memory_space<vmem>>, vector<1x1x1x8x1xi32>
    %swap3A_268 = vector.shape_cast %swap3A_267 : vector<1x1x1x8x1xi32> to vector<8x1xi32>
    %swap3A_269 = vector.shape_cast %broadcast_in_dim3A_261 : vector<8x1xi32> to vector<1x1x1x8x1xi32>
    tpu.vector_store %arg4[%swap3A_262, %swap3A_263, %swap3A_264, %swap3A_265, %swap3A_266], %swap3A_269 {strides = array<i32>} : memref<1x1x32x8x1xi32, #tpu.memory_space<vmem>>, vector<1x1x1x8x1xi32>,
    %eq3A_270 = vector.broadcast %broadcast_in_dim3A_261 : vector<8x1xi32> to vector<8x8192xi32>
    %eq3A_271 = arith.cmpi eq, %iota3A, %eq3A_270 : vector<8x8192xi32>
    %jit3A_272 = arith.constant 0x7F800000 : f32
    %broadcast_in_dim3A_273 = vector.broadcast %jit3A_272 : f32 to vector<8x8192xf32>
    %select_n3A_274 = arith.select %eq3A_271, %broadcast_in_dim3A_273, %select_n3A_250 : vector<8x8192xi1>, vector<8x8192xf32>
    %reduce_min3A_275 = arith.constant dense<0x7F800000> : vector<8xf32>
    %reduce_min3A_276 = vector.multi_reduction <minimumf>, %select_n3A_274, %reduce_min3A_275 [1] : vector<8x8192xf32> to vector<8xf32>
    %broadcast_in_dim3A_277 = vector.shape_cast %reduce_min3A_276 : vector<8xf32> to vector<8x1xf32>
    %eq3A_278 = vector.broadcast %broadcast_in_dim3A_277 : vector<8x1xf32> to vector<8x8192xf32>
    %eq3A_279 = arith.cmpf oeq, %select_n3A_274, %eq3A_278 : vector<8x8192xf32>
    %jit3A_280 = arith.constant 8192 : i32
    %broadcast_in_dim3A_281 = vector.broadcast %jit3A_280 : i32 to vector<8x8192xi32>
    %select_n3A_282 = arith.select %eq3A_279, %iota3A, %broadcast_in_dim3A_281 : vector<8x8192xi1>, vector<8x8192xi32>
    %reduce_min3A_283 = arith.constant dense<2147483647> : vector<8xi32>
    %reduce_min3A_284 = vector.multi_reduction <minsi>, %select_n3A_282, %reduce_min3A_283 [1] : vector<8x8192xi32> to vector<8xi32>
    %broadcast_in_dim3A_285 = vector.shape_cast %reduce_min3A_284 : vector<8xi32> to vector<8x1xi32>
    %swap3A_286 = arith.constant 0 : index
    %swap3A_287 = arith.constant 0 : index
    %swap3A_288 = arith.constant 10 : index
    %swap3A_289 = arith.constant 0 : index
    %swap3A_290 = arith.constant 0 : index
    %swap3A_291 = vector.load %arg4[%swap3A_286, %swap3A_287, %swap3A_288, %swap3A_289, %swap3A_290] : memref<1x1x32x8x1xi32, #tpu.memory_space<vmem>>, vector<1x1x1x8x1xi32>
    %swap3A_292 = vector.shape_cast %swap3A_291 : vector<1x1x1x8x1xi32> to vector<8x1xi32>
    %swap3A_293 = vector.shape_cast %broadcast_in_dim3A_285 : vector<8x1xi32> to vector<1x1x1x8x1xi32>
    tpu.vector_store %arg4[%swap3A_286, %swap3A_287, %swap3A_288, %swap3A_289, %swap3A_290], %swap3A_293 {strides = array<i32>} : memref<1x1x32x8x1xi32, #tpu.memory_space<vmem>>, vector<1x1x1x8x1xi32>,
    %eq3A_294 = vector.broadcast %broadcast_in_dim3A_285 : vector<8x1xi32> to vector<8x8192xi32>
    %eq3A_295 = arith.cmpi eq, %iota3A, %eq3A_294 : vector<8x8192xi32>
    %jit3A_296 = arith.constant 0x7F800000 : f32
    %broadcast_in_dim3A_297 = vector.broadcast %jit3A_296 : f32 to vector<8x8192xf32>
    %select_n3A_298 = arith.select %eq3A_295, %broadcast_in_dim3A_297, %select_n3A_274 : vector<8x8192xi1>, vector<8x8192xf32>
    %reduce_min3A_299 = arith.constant dense<0x7F800000> : vector<8xf32>
    %reduce_min3A_300 = vector.multi_reduction <minimumf>, %select_n3A_298, %reduce_min3A_299 [1] : vector<8x8192xf32> to vector<8xf32>
    %broadcast_in_dim3A_301 = vector.shape_cast %reduce_min3A_300 : vector<8xf32> to vector<8x1xf32>
    %eq3A_302 = vector.broadcast %broadcast_in_dim3A_301 : vector<8x1xf32> to vector<8x8192xf32>
    %eq3A_303 = arith.cmpf oeq, %select_n3A_298, %eq3A_302 : vector<8x8192xf32>
    %jit3A_304 = arith.constant 8192 : i32
    %broadcast_in_dim3A_305 = vector.broadcast %jit3A_304 : i32 to vector<8x8192xi32>
    %select_n3A_306 = arith.select %eq3A_303, %iota3A, %broadcast_in_dim3A_305 : vector<8x8192xi1>, vector<8x8192xi32>
    %reduce_min3A_307 = arith.constant dense<2147483647> : vector<8xi32>
    %reduce_min3A_308 = vector.multi_reduction <minsi>, %select_n3A_306, %reduce_min3A_307 [1] : vector<8x8192xi32> to vector<8xi32>
    %broadcast_in_dim3A_309 = vector.shape_cast %reduce_min3A_308 : vector<8xi32> to vector<8x1xi32>
    %swap3A_310 = arith.constant 0 : index
    %swap3A_311 = arith.constant 0 : index
    %swap3A_312 = arith.constant 11 : index
    %swap3A_313 = arith.constant 0 : index
    %swap3A_314 = arith.constant 0 : index
    %swap3A_315 = vector.load %arg4[%swap3A_310, %swap3A_311, %swap3A_312, %swap3A_313, %swap3A_314] : memref<1x1x32x8x1xi32, #tpu.memory_space<vmem>>, vector<1x1x1x8x1xi32>
    %swap3A_316 = vector.shape_cast %swap3A_315 : vector<1x1x1x8x1xi32> to vector<8x1xi32>
    %swap3A_317 = vector.shape_cast %broadcast_in_dim3A_309 : vector<8x1xi32> to vector<1x1x1x8x1xi32>
    tpu.vector_store %arg4[%swap3A_310, %swap3A_311, %swap3A_312, %swap3A_313, %swap3A_314], %swap3A_317 {strides = array<i32>} : memref<1x1x32x8x1xi32, #tpu.memory_space<vmem>>, vector<1x1x1x8x1xi32>,
    %eq3A_318 = vector.broadcast %broadcast_in_dim3A_309 : vector<8x1xi32> to vector<8x8192xi32>
    %eq3A_319 = arith.cmpi eq, %iota3A, %eq3A_318 : vector<8x8192xi32>
    %jit3A_320 = arith.constant 0x7F800000 : f32
    %broadcast_in_dim3A_321 = vector.broadcast %jit3A_320 : f32 to vector<8x8192xf32>
    %select_n3A_322 = arith.select %eq3A_319, %broadcast_in_dim3A_321, %select_n3A_298 : vector<8x8192xi1>, vector<8x8192xf32>
    %reduce_min3A_323 = arith.constant dense<0x7F800000> : vector<8xf32>
    %reduce_min3A_324 = vector.multi_reduction <minimumf>, %select_n3A_322, %reduce_min3A_323 [1] : vector<8x8192xf32> to vector<8xf32>
    %broadcast_in_dim3A_325 = vector.shape_cast %reduce_min3A_324 : vector<8xf32> to vector<8x1xf32>
    %eq3A_326 = vector.broadcast %broadcast_in_dim3A_325 : vector<8x1xf32> to vector<8x8192xf32>
    %eq3A_327 = arith.cmpf oeq, %select_n3A_322, %eq3A_326 : vector<8x8192xf32>
    %jit3A_328 = arith.constant 8192 : i32
    %broadcast_in_dim3A_329 = vector.broadcast %jit3A_328 : i32 to vector<8x8192xi32>
    %select_n3A_330 = arith.select %eq3A_327, %iota3A, %broadcast_in_dim3A_329 : vector<8x8192xi1>, vector<8x8192xi32>
    %reduce_min3A_331 = arith.constant dense<2147483647> : vector<8xi32>
    %reduce_min3A_332 = vector.multi_reduction <minsi>, %select_n3A_330, %reduce_min3A_331 [1] : vector<8x8192xi32> to vector<8xi32>
    %broadcast_in_dim3A_333 = vector.shape_cast %reduce_min3A_332 : vector<8xi32> to vector<8x1xi32>
    %swap3A_334 = arith.constant 0 : index
    %swap3A_335 = arith.constant 0 : index
    %swap3A_336 = arith.constant 12 : index
    %swap3A_337 = arith.constant 0 : index
    %swap3A_338 = arith.constant 0 : index
    %swap3A_339 = vector.load %arg4[%swap3A_334, %swap3A_335, %swap3A_336, %swap3A_337, %swap3A_338] : memref<1x1x32x8x1xi32, #tpu.memory_space<vmem>>, vector<1x1x1x8x1xi32>
    %swap3A_340 = vector.shape_cast %swap3A_339 : vector<1x1x1x8x1xi32> to vector<8x1xi32>
    %swap3A_341 = vector.shape_cast %broadcast_in_dim3A_333 : vector<8x1xi32> to vector<1x1x1x8x1xi32>
    tpu.vector_store %arg4[%swap3A_334, %swap3A_335, %swap3A_336, %swap3A_337, %swap3A_338], %swap3A_341 {strides = array<i32>} : memref<1x1x32x8x1xi32, #tpu.memory_space<vmem>>, vector<1x1x1x8x1xi32>,
    %eq3A_342 = vector.broadcast %broadcast_in_dim3A_333 : vector<8x1xi32> to vector<8x8192xi32>
    %eq3A_343 = arith.cmpi eq, %iota3A, %eq3A_342 : vector<8x8192xi32>
    %jit3A_344 = arith.constant 0x7F800000 : f32
    %broadcast_in_dim3A_345 = vector.broadcast %jit3A_344 : f32 to vector<8x8192xf32>
    %select_n3A_346 = arith.select %eq3A_343, %broadcast_in_dim3A_345, %select_n3A_322 : vector<8x8192xi1>, vector<8x8192xf32>
    %reduce_min3A_347 = arith.constant dense<0x7F800000> : vector<8xf32>
    %reduce_min3A_348 = vector.multi_reduction <minimumf>, %select_n3A_346, %reduce_min3A_347 [1] : vector<8x8192xf32> to vector<8xf32>
    %broadcast_in_dim3A_349 = vector.shape_cast %reduce_min3A_348 : vector<8xf32> to vector<8x1xf32>
    %eq3A_350 = vector.broadcast %broadcast_in_dim3A_349 : vector<8x1xf32> to vector<8x8192xf32>
    %eq3A_351 = arith.cmpf oeq, %select_n3A_346, %eq3A_350 : vector<8x8192xf32>
    %jit3A_352 = arith.constant 8192 : i32
    %broadcast_in_dim3A_353 = vector.broadcast %jit3A_352 : i32 to vector<8x8192xi32>
    %select_n3A_354 = arith.select %eq3A_351, %iota3A, %broadcast_in_dim3A_353 : vector<8x8192xi1>, vector<8x8192xi32>
    %reduce_min3A_355 = arith.constant dense<2147483647> : vector<8xi32>
    %reduce_min3A_356 = vector.multi_reduction <minsi>, %select_n3A_354, %reduce_min3A_355 [1] : vector<8x8192xi32> to vector<8xi32>
    %broadcast_in_dim3A_357 = vector.shape_cast %reduce_min3A_356 : vector<8xi32> to vector<8x1xi32>
    %swap3A_358 = arith.constant 0 : index
    %swap3A_359 = arith.constant 0 : index
    %swap3A_360 = arith.constant 13 : index
    %swap3A_361 = arith.constant 0 : index
    %swap3A_362 = arith.constant 0 : index
    %swap3A_363 = vector.load %arg4[%swap3A_358, %swap3A_359, %swap3A_360, %swap3A_361, %swap3A_362] : memref<1x1x32x8x1xi32, #tpu.memory_space<vmem>>, vector<1x1x1x8x1xi32>
    %swap3A_364 = vector.shape_cast %swap3A_363 : vector<1x1x1x8x1xi32> to vector<8x1xi32>
    %swap3A_365 = vector.shape_cast %broadcast_in_dim3A_357 : vector<8x1xi32> to vector<1x1x1x8x1xi32>
    tpu.vector_store %arg4[%swap3A_358, %swap3A_359, %swap3A_360, %swap3A_361, %swap3A_362], %swap3A_365 {strides = array<i32>} : memref<1x1x32x8x1xi32, #tpu.memory_space<vmem>>, vector<1x1x1x8x1xi32>,
    %eq3A_366 = vector.broadcast %broadcast_in_dim3A_357 : vector<8x1xi32> to vector<8x8192xi32>
    %eq3A_367 = arith.cmpi eq, %iota3A, %eq3A_366 : vector<8x8192xi32>
    %jit3A_368 = arith.constant 0x7F800000 : f32
    %broadcast_in_dim3A_369 = vector.broadcast %jit3A_368 : f32 to vector<8x8192xf32>
    %select_n3A_370 = arith.select %eq3A_367, %broadcast_in_dim3A_369, %select_n3A_346 : vector<8x8192xi1>, vector<8x8192xf32>
    %reduce_min3A_371 = arith.constant dense<0x7F800000> : vector<8xf32>
    %reduce_min3A_372 = vector.multi_reduction <minimumf>, %select_n3A_370, %reduce_min3A_371 [1] : vector<8x8192xf32> to vector<8xf32>
    %broadcast_in_dim3A_373 = vector.shape_cast %reduce_min3A_372 : vector<8xf32> to vector<8x1xf32>
    %eq3A_374 = vector.broadcast %broadcast_in_dim3A_373 : vector<8x1xf32> to vector<8x8192xf32>
    %eq3A_375 = arith.cmpf oeq, %select_n3A_370, %eq3A_374 : vector<8x8192xf32>
    %jit3A_376 = arith.constant 8192 : i32
    %broadcast_in_dim3A_377 = vector.broadcast %jit3A_376 : i32 to vector<8x8192xi32>
    %select_n3A_378 = arith.select %eq3A_375, %iota3A, %broadcast_in_dim3A_377 : vector<8x8192xi1>, vector<8x8192xi32>
    %reduce_min3A_379 = arith.constant dense<2147483647> : vector<8xi32>
    %reduce_min3A_380 = vector.multi_reduction <minsi>, %select_n3A_378, %reduce_min3A_379 [1] : vector<8x8192xi32> to vector<8xi32>
    %broadcast_in_dim3A_381 = vector.shape_cast %reduce_min3A_380 : vector<8xi32> to vector<8x1xi32>
    %swap3A_382 = arith.constant 0 : index
    %swap3A_383 = arith.constant 0 : index
    %swap3A_384 = arith.constant 14 : index
    %swap3A_385 = arith.constant 0 : index
    %swap3A_386 = arith.constant 0 : index
    %swap3A_387 = vector.load %arg4[%swap3A_382, %swap3A_383, %swap3A_384, %swap3A_385, %swap3A_386] : memref<1x1x32x8x1xi32, #tpu.memory_space<vmem>>, vector<1x1x1x8x1xi32>
    %swap3A_388 = vector.shape_cast %swap3A_387 : vector<1x1x1x8x1xi32> to vector<8x1xi32>
    %swap3A_389 = vector.shape_cast %broadcast_in_dim3A_381 : vector<8x1xi32> to vector<1x1x1x8x1xi32>
    tpu.vector_store %arg4[%swap3A_382, %swap3A_383, %swap3A_384, %swap3A_385, %swap3A_386], %swap3A_389 {strides = array<i32>} : memref<1x1x32x8x1xi32, #tpu.memory_space<vmem>>, vector<1x1x1x8x1xi32>,
    %eq3A_390 = vector.broadcast %broadcast_in_dim3A_381 : vector<8x1xi32> to vector<8x8192xi32>
    %eq3A_391 = arith.cmpi eq, %iota3A, %eq3A_390 : vector<8x8192xi32>
    %jit3A_392 = arith.constant 0x7F800000 : f32
    %broadcast_in_dim3A_393 = vector.broadcast %jit3A_392 : f32 to vector<8x8192xf32>
    %select_n3A_394 = arith.select %eq3A_391, %broadcast_in_dim3A_393, %select_n3A_370 : vector<8x8192xi1>, vector<8x8192xf32>
    %reduce_min3A_395 = arith.constant dense<0x7F800000> : vector<8xf32>
    %reduce_min3A_396 = vector.multi_reduction <minimumf>, %select_n3A_394, %reduce_min3A_395 [1] : vector<8x8192xf32> to vector<8xf32>
    %broadcast_in_dim3A_397 = vector.shape_cast %reduce_min3A_396 : vector<8xf32> to vector<8x1xf32>
    %eq3A_398 = vector.broadcast %broadcast_in_dim3A_397 : vector<8x1xf32> to vector<8x8192xf32>
    %eq3A_399 = arith.cmpf oeq, %select_n3A_394, %eq3A_398 : vector<8x8192xf32>
    %jit3A_400 = arith.constant 8192 : i32
    %broadcast_in_dim3A_401 = vector.broadcast %jit3A_400 : i32 to vector<8x8192xi32>
    %select_n3A_402 = arith.select %eq3A_399, %iota3A, %broadcast_in_dim3A_401 : vector<8x8192xi1>, vector<8x8192xi32>
    %reduce_min3A_403 = arith.constant dense<2147483647> : vector<8xi32>
    %reduce_min3A_404 = vector.multi_reduction <minsi>, %select_n3A_402, %reduce_min3A_403 [1] : vector<8x8192xi32> to vector<8xi32>
    %broadcast_in_dim3A_405 = vector.shape_cast %reduce_min3A_404 : vector<8xi32> to vector<8x1xi32>
    %swap3A_406 = arith.constant 0 : index
    %swap3A_407 = arith.constant 0 : index
    %swap3A_408 = arith.constant 15 : index
    %swap3A_409 = arith.constant 0 : index
    %swap3A_410 = arith.constant 0 : index
    %swap3A_411 = vector.load %arg4[%swap3A_406, %swap3A_407, %swap3A_408, %swap3A_409, %swap3A_410] : memref<1x1x32x8x1xi32, #tpu.memory_space<vmem>>, vector<1x1x1x8x1xi32>
    %swap3A_412 = vector.shape_cast %swap3A_411 : vector<1x1x1x8x1xi32> to vector<8x1xi32>
    %swap3A_413 = vector.shape_cast %broadcast_in_dim3A_405 : vector<8x1xi32> to vector<1x1x1x8x1xi32>
    tpu.vector_store %arg4[%swap3A_406, %swap3A_407, %swap3A_408, %swap3A_409, %swap3A_410], %swap3A_413 {strides = array<i32>} : memref<1x1x32x8x1xi32, #tpu.memory_space<vmem>>, vector<1x1x1x8x1xi32>,
    %eq3A_414 = vector.broadcast %broadcast_in_dim3A_405 : vector<8x1xi32> to vector<8x8192xi32>
    %eq3A_415 = arith.cmpi eq, %iota3A, %eq3A_414 : vector<8x8192xi32>
    %jit3A_416 = arith.constant 0x7F800000 : f32
    %broadcast_in_dim3A_417 = vector.broadcast %jit3A_416 : f32 to vector<8x8192xf32>
    %select_n3A_418 = arith.select %eq3A_415, %broadcast_in_dim3A_417, %select_n3A_394 : vector<8x8192xi1>, vector<8x8192xf32>
    %reduce_min3A_419 = arith.constant dense<0x7F800000> : vector<8xf32>
    %reduce_min3A_420 = vector.multi_reduction <minimumf>, %select_n3A_418, %reduce_min3A_419 [1] : vector<8x8192xf32> to vector<8xf32>
    %broadcast_in_dim3A_421 = vector.shape_cast %reduce_min3A_420 : vector<8xf32> to vector<8x1xf32>
    %eq3A_422 = vector.broadcast %broadcast_in_dim3A_421 : vector<8x1xf32> to vector<8x8192xf32>
    %eq3A_423 = arith.cmpf oeq, %select_n3A_418, %eq3A_422 : vector<8x8192xf32>
    %jit3A_424 = arith.constant 8192 : i32
    %broadcast_in_dim3A_425 = vector.broadcast %jit3A_424 : i32 to vector<8x8192xi32>
    %select_n3A_426 = arith.select %eq3A_423, %iota3A, %broadcast_in_dim3A_425 : vector<8x8192xi1>, vector<8x8192xi32>
    %reduce_min3A_427 = arith.constant dense<2147483647> : vector<8xi32>
    %reduce_min3A_428 = vector.multi_reduction <minsi>, %select_n3A_426, %reduce_min3A_427 [1] : vector<8x8192xi32> to vector<8xi32>
    %broadcast_in_dim3A_429 = vector.shape_cast %reduce_min3A_428 : vector<8xi32> to vector<8x1xi32>
    %swap3A_430 = arith.constant 0 : index
    %swap3A_431 = arith.constant 0 : index
    %swap3A_432 = arith.constant 16 : index
    %swap3A_433 = arith.constant 0 : index
    %swap3A_434 = arith.constant 0 : index
    %swap3A_435 = vector.load %arg4[%swap3A_430, %swap3A_431, %swap3A_432, %swap3A_433, %swap3A_434] : memref<1x1x32x8x1xi32, #tpu.memory_space<vmem>>, vector<1x1x1x8x1xi32>
    %swap3A_436 = vector.shape_cast %swap3A_435 : vector<1x1x1x8x1xi32> to vector<8x1xi32>
    %swap3A_437 = vector.shape_cast %broadcast_in_dim3A_429 : vector<8x1xi32> to vector<1x1x1x8x1xi32>
    tpu.vector_store %arg4[%swap3A_430, %swap3A_431, %swap3A_432, %swap3A_433, %swap3A_434], %swap3A_437 {strides = array<i32>} : memref<1x1x32x8x1xi32, #tpu.memory_space<vmem>>, vector<1x1x1x8x1xi32>,
    %eq3A_438 = vector.broadcast %broadcast_in_dim3A_429 : vector<8x1xi32> to vector<8x8192xi32>
    %eq3A_439 = arith.cmpi eq, %iota3A, %eq3A_438 : vector<8x8192xi32>
    %jit3A_440 = arith.constant 0x7F800000 : f32
    %broadcast_in_dim3A_441 = vector.broadcast %jit3A_440 : f32 to vector<8x8192xf32>
    %select_n3A_442 = arith.select %eq3A_439, %broadcast_in_dim3A_441, %select_n3A_418 : vector<8x8192xi1>, vector<8x8192xf32>
    %reduce_min3A_443 = arith.constant dense<0x7F800000> : vector<8xf32>
    %reduce_min3A_444 = vector.multi_reduction <minimumf>, %select_n3A_442, %reduce_min3A_443 [1] : vector<8x8192xf32> to vector<8xf32>
    %broadcast_in_dim3A_445 = vector.shape_cast %reduce_min3A_444 : vector<8xf32> to vector<8x1xf32>
    %eq3A_446 = vector.broadcast %broadcast_in_dim3A_445 : vector<8x1xf32> to vector<8x8192xf32>
    %eq3A_447 = arith.cmpf oeq, %select_n3A_442, %eq3A_446 : vector<8x8192xf32>
    %jit3A_448 = arith.constant 8192 : i32
    %broadcast_in_dim3A_449 = vector.broadcast %jit3A_448 : i32 to vector<8x8192xi32>
    %select_n3A_450 = arith.select %eq3A_447, %iota3A, %broadcast_in_dim3A_449 : vector<8x8192xi1>, vector<8x8192xi32>
    %reduce_min3A_451 = arith.constant dense<2147483647> : vector<8xi32>
    %reduce_min3A_452 = vector.multi_reduction <minsi>, %select_n3A_450, %reduce_min3A_451 [1] : vector<8x8192xi32> to vector<8xi32>
    %broadcast_in_dim3A_453 = vector.shape_cast %reduce_min3A_452 : vector<8xi32> to vector<8x1xi32>
    %swap3A_454 = arith.constant 0 : index
    %swap3A_455 = arith.constant 0 : index
    %swap3A_456 = arith.constant 17 : index
    %swap3A_457 = arith.constant 0 : index
    %swap3A_458 = arith.constant 0 : index
    %swap3A_459 = vector.load %arg4[%swap3A_454, %swap3A_455, %swap3A_456, %swap3A_457, %swap3A_458] : memref<1x1x32x8x1xi32, #tpu.memory_space<vmem>>, vector<1x1x1x8x1xi32>
    %swap3A_460 = vector.shape_cast %swap3A_459 : vector<1x1x1x8x1xi32> to vector<8x1xi32>
    %swap3A_461 = vector.shape_cast %broadcast_in_dim3A_453 : vector<8x1xi32> to vector<1x1x1x8x1xi32>
    tpu.vector_store %arg4[%swap3A_454, %swap3A_455, %swap3A_456, %swap3A_457, %swap3A_458], %swap3A_461 {strides = array<i32>} : memref<1x1x32x8x1xi32, #tpu.memory_space<vmem>>, vector<1x1x1x8x1xi32>,
    %eq3A_462 = vector.broadcast %broadcast_in_dim3A_453 : vector<8x1xi32> to vector<8x8192xi32>
    %eq3A_463 = arith.cmpi eq, %iota3A, %eq3A_462 : vector<8x8192xi32>
    %jit3A_464 = arith.constant 0x7F800000 : f32
    %broadcast_in_dim3A_465 = vector.broadcast %jit3A_464 : f32 to vector<8x8192xf32>
    %select_n3A_466 = arith.select %eq3A_463, %broadcast_in_dim3A_465, %select_n3A_442 : vector<8x8192xi1>, vector<8x8192xf32>
    %reduce_min3A_467 = arith.constant dense<0x7F800000> : vector<8xf32>
    %reduce_min3A_468 = vector.multi_reduction <minimumf>, %select_n3A_466, %reduce_min3A_467 [1] : vector<8x8192xf32> to vector<8xf32>
    %broadcast_in_dim3A_469 = vector.shape_cast %reduce_min3A_468 : vector<8xf32> to vector<8x1xf32>
    %eq3A_470 = vector.broadcast %broadcast_in_dim3A_469 : vector<8x1xf32> to vector<8x8192xf32>
    %eq3A_471 = arith.cmpf oeq, %select_n3A_466, %eq3A_470 : vector<8x8192xf32>
    %jit3A_472 = arith.constant 8192 : i32
    %broadcast_in_dim3A_473 = vector.broadcast %jit3A_472 : i32 to vector<8x8192xi32>
    %select_n3A_474 = arith.select %eq3A_471, %iota3A, %broadcast_in_dim3A_473 : vector<8x8192xi1>, vector<8x8192xi32>
    %reduce_min3A_475 = arith.constant dense<2147483647> : vector<8xi32>
    %reduce_min3A_476 = vector.multi_reduction <minsi>, %select_n3A_474, %reduce_min3A_475 [1] : vector<8x8192xi32> to vector<8xi32>
    %broadcast_in_dim3A_477 = vector.shape_cast %reduce_min3A_476 : vector<8xi32> to vector<8x1xi32>
    %swap3A_478 = arith.constant 0 : index
    %swap3A_479 = arith.constant 0 : index
    %swap3A_480 = arith.constant 18 : index
    %swap3A_481 = arith.constant 0 : index
    %swap3A_482 = arith.constant 0 : index
    %swap3A_483 = vector.load %arg4[%swap3A_478, %swap3A_479, %swap3A_480, %swap3A_481, %swap3A_482] : memref<1x1x32x8x1xi32, #tpu.memory_space<vmem>>, vector<1x1x1x8x1xi32>
    %swap3A_484 = vector.shape_cast %swap3A_483 : vector<1x1x1x8x1xi32> to vector<8x1xi32>
    %swap3A_485 = vector.shape_cast %broadcast_in_dim3A_477 : vector<8x1xi32> to vector<1x1x1x8x1xi32>
    tpu.vector_store %arg4[%swap3A_478, %swap3A_479, %swap3A_480, %swap3A_481, %swap3A_482], %swap3A_485 {strides = array<i32>} : memref<1x1x32x8x1xi32, #tpu.memory_space<vmem>>, vector<1x1x1x8x1xi32>,
    %eq3A_486 = vector.broadcast %broadcast_in_dim3A_477 : vector<8x1xi32> to vector<8x8192xi32>
    %eq3A_487 = arith.cmpi eq, %iota3A, %eq3A_486 : vector<8x8192xi32>
    %jit3A_488 = arith.constant 0x7F800000 : f32
    %broadcast_in_dim3A_489 = vector.broadcast %jit3A_488 : f32 to vector<8x8192xf32>
    %select_n3A_490 = arith.select %eq3A_487, %broadcast_in_dim3A_489, %select_n3A_466 : vector<8x8192xi1>, vector<8x8192xf32>
    %reduce_min3A_491 = arith.constant dense<0x7F800000> : vector<8xf32>
    %reduce_min3A_492 = vector.multi_reduction <minimumf>, %select_n3A_490, %reduce_min3A_491 [1] : vector<8x8192xf32> to vector<8xf32>
    %broadcast_in_dim3A_493 = vector.shape_cast %reduce_min3A_492 : vector<8xf32> to vector<8x1xf32>
    %eq3A_494 = vector.broadcast %broadcast_in_dim3A_493 : vector<8x1xf32> to vector<8x8192xf32>
    %eq3A_495 = arith.cmpf oeq, %select_n3A_490, %eq3A_494 : vector<8x8192xf32>
    %jit3A_496 = arith.constant 8192 : i32
    %broadcast_in_dim3A_497 = vector.broadcast %jit3A_496 : i32 to vector<8x8192xi32>
    %select_n3A_498 = arith.select %eq3A_495, %iota3A, %broadcast_in_dim3A_497 : vector<8x8192xi1>, vector<8x8192xi32>
    %reduce_min3A_499 = arith.constant dense<2147483647> : vector<8xi32>
    %reduce_min3A_500 = vector.multi_reduction <minsi>, %select_n3A_498, %reduce_min3A_499 [1] : vector<8x8192xi32> to vector<8xi32>
    %broadcast_in_dim3A_501 = vector.shape_cast %reduce_min3A_500 : vector<8xi32> to vector<8x1xi32>
    %swap3A_502 = arith.constant 0 : index
    %swap3A_503 = arith.constant 0 : index
    %swap3A_504 = arith.constant 19 : index
    %swap3A_505 = arith.constant 0 : index
    %swap3A_506 = arith.constant 0 : index
    %swap3A_507 = vector.load %arg4[%swap3A_502, %swap3A_503, %swap3A_504, %swap3A_505, %swap3A_506] : memref<1x1x32x8x1xi32, #tpu.memory_space<vmem>>, vector<1x1x1x8x1xi32>
    %swap3A_508 = vector.shape_cast %swap3A_507 : vector<1x1x1x8x1xi32> to vector<8x1xi32>
    %swap3A_509 = vector.shape_cast %broadcast_in_dim3A_501 : vector<8x1xi32> to vector<1x1x1x8x1xi32>
    tpu.vector_store %arg4[%swap3A_502, %swap3A_503, %swap3A_504, %swap3A_505, %swap3A_506], %swap3A_509 {strides = array<i32>} : memref<1x1x32x8x1xi32, #tpu.memory_space<vmem>>, vector<1x1x1x8x1xi32>,
    %eq3A_510 = vector.broadcast %broadcast_in_dim3A_501 : vector<8x1xi32> to vector<8x8192xi32>
    %eq3A_511 = arith.cmpi eq, %iota3A, %eq3A_510 : vector<8x8192xi32>
    %jit3A_512 = arith.constant 0x7F800000 : f32
    %broadcast_in_dim3A_513 = vector.broadcast %jit3A_512 : f32 to vector<8x8192xf32>
    %select_n3A_514 = arith.select %eq3A_511, %broadcast_in_dim3A_513, %select_n3A_490 : vector<8x8192xi1>, vector<8x8192xf32>
    %reduce_min3A_515 = arith.constant dense<0x7F800000> : vector<8xf32>
    %reduce_min3A_516 = vector.multi_reduction <minimumf>, %select_n3A_514, %reduce_min3A_515 [1] : vector<8x8192xf32> to vector<8xf32>
    %broadcast_in_dim3A_517 = vector.shape_cast %reduce_min3A_516 : vector<8xf32> to vector<8x1xf32>
    %eq3A_518 = vector.broadcast %broadcast_in_dim3A_517 : vector<8x1xf32> to vector<8x8192xf32>
    %eq3A_519 = arith.cmpf oeq, %select_n3A_514, %eq3A_518 : vector<8x8192xf32>
    %jit3A_520 = arith.constant 8192 : i32
    %broadcast_in_dim3A_521 = vector.broadcast %jit3A_520 : i32 to vector<8x8192xi32>
    %select_n3A_522 = arith.select %eq3A_519, %iota3A, %broadcast_in_dim3A_521 : vector<8x8192xi1>, vector<8x8192xi32>
    %reduce_min3A_523 = arith.constant dense<2147483647> : vector<8xi32>
    %reduce_min3A_524 = vector.multi_reduction <minsi>, %select_n3A_522, %reduce_min3A_523 [1] : vector<8x8192xi32> to vector<8xi32>
    %broadcast_in_dim3A_525 = vector.shape_cast %reduce_min3A_524 : vector<8xi32> to vector<8x1xi32>
    %swap3A_526 = arith.constant 0 : index
    %swap3A_527 = arith.constant 0 : index
    %swap3A_528 = arith.constant 20 : index
    %swap3A_529 = arith.constant 0 : index
    %swap3A_530 = arith.constant 0 : index
    %swap3A_531 = vector.load %arg4[%swap3A_526, %swap3A_527, %swap3A_528, %swap3A_529, %swap3A_530] : memref<1x1x32x8x1xi32, #tpu.memory_space<vmem>>, vector<1x1x1x8x1xi32>
    %swap3A_532 = vector.shape_cast %swap3A_531 : vector<1x1x1x8x1xi32> to vector<8x1xi32>
    %swap3A_533 = vector.shape_cast %broadcast_in_dim3A_525 : vector<8x1xi32> to vector<1x1x1x8x1xi32>
    tpu.vector_store %arg4[%swap3A_526, %swap3A_527, %swap3A_528, %swap3A_529, %swap3A_530], %swap3A_533 {strides = array<i32>} : memref<1x1x32x8x1xi32, #tpu.memory_space<vmem>>, vector<1x1x1x8x1xi32>,
    %eq3A_534 = vector.broadcast %broadcast_in_dim3A_525 : vector<8x1xi32> to vector<8x8192xi32>
    %eq3A_535 = arith.cmpi eq, %iota3A, %eq3A_534 : vector<8x8192xi32>
    %jit3A_536 = arith.constant 0x7F800000 : f32
    %broadcast_in_dim3A_537 = vector.broadcast %jit3A_536 : f32 to vector<8x8192xf32>
    %select_n3A_538 = arith.select %eq3A_535, %broadcast_in_dim3A_537, %select_n3A_514 : vector<8x8192xi1>, vector<8x8192xf32>
    %reduce_min3A_539 = arith.constant dense<0x7F800000> : vector<8xf32>
    %reduce_min3A_540 = vector.multi_reduction <minimumf>, %select_n3A_538, %reduce_min3A_539 [1] : vector<8x8192xf32> to vector<8xf32>
    %broadcast_in_dim3A_541 = vector.shape_cast %reduce_min3A_540 : vector<8xf32> to vector<8x1xf32>
    %eq3A_542 = vector.broadcast %broadcast_in_dim3A_541 : vector<8x1xf32> to vector<8x8192xf32>
    %eq3A_543 = arith.cmpf oeq, %select_n3A_538, %eq3A_542 : vector<8x8192xf32>
    %jit3A_544 = arith.constant 8192 : i32
    %broadcast_in_dim3A_545 = vector.broadcast %jit3A_544 : i32 to vector<8x8192xi32>
    %select_n3A_546 = arith.select %eq3A_543, %iota3A, %broadcast_in_dim3A_545 : vector<8x8192xi1>, vector<8x8192xi32>
    %reduce_min3A_547 = arith.constant dense<2147483647> : vector<8xi32>
    %reduce_min3A_548 = vector.multi_reduction <minsi>, %select_n3A_546, %reduce_min3A_547 [1] : vector<8x8192xi32> to vector<8xi32>
    %broadcast_in_dim3A_549 = vector.shape_cast %reduce_min3A_548 : vector<8xi32> to vector<8x1xi32>
    %swap3A_550 = arith.constant 0 : index
    %swap3A_551 = arith.constant 0 : index
    %swap3A_552 = arith.constant 21 : index
    %swap3A_553 = arith.constant 0 : index
    %swap3A_554 = arith.constant 0 : index
    %swap3A_555 = vector.load %arg4[%swap3A_550, %swap3A_551, %swap3A_552, %swap3A_553, %swap3A_554] : memref<1x1x32x8x1xi32, #tpu.memory_space<vmem>>, vector<1x1x1x8x1xi32>
    %swap3A_556 = vector.shape_cast %swap3A_555 : vector<1x1x1x8x1xi32> to vector<8x1xi32>
    %swap3A_557 = vector.shape_cast %broadcast_in_dim3A_549 : vector<8x1xi32> to vector<1x1x1x8x1xi32>
    tpu.vector_store %arg4[%swap3A_550, %swap3A_551, %swap3A_552, %swap3A_553, %swap3A_554], %swap3A_557 {strides = array<i32>} : memref<1x1x32x8x1xi32, #tpu.memory_space<vmem>>, vector<1x1x1x8x1xi32>,
    %eq3A_558 = vector.broadcast %broadcast_in_dim3A_549 : vector<8x1xi32> to vector<8x8192xi32>
    %eq3A_559 = arith.cmpi eq, %iota3A, %eq3A_558 : vector<8x8192xi32>
    %jit3A_560 = arith.constant 0x7F800000 : f32
    %broadcast_in_dim3A_561 = vector.broadcast %jit3A_560 : f32 to vector<8x8192xf32>
    %select_n3A_562 = arith.select %eq3A_559, %broadcast_in_dim3A_561, %select_n3A_538 : vector<8x8192xi1>, vector<8x8192xf32>
    %reduce_min3A_563 = arith.constant dense<0x7F800000> : vector<8xf32>
    %reduce_min3A_564 = vector.multi_reduction <minimumf>, %select_n3A_562, %reduce_min3A_563 [1] : vector<8x8192xf32> to vector<8xf32>
    %broadcast_in_dim3A_565 = vector.shape_cast %reduce_min3A_564 : vector<8xf32> to vector<8x1xf32>
    %eq3A_566 = vector.broadcast %broadcast_in_dim3A_565 : vector<8x1xf32> to vector<8x8192xf32>
    %eq3A_567 = arith.cmpf oeq, %select_n3A_562, %eq3A_566 : vector<8x8192xf32>
    %jit3A_568 = arith.constant 8192 : i32
    %broadcast_in_dim3A_569 = vector.broadcast %jit3A_568 : i32 to vector<8x8192xi32>
    %select_n3A_570 = arith.select %eq3A_567, %iota3A, %broadcast_in_dim3A_569 : vector<8x8192xi1>, vector<8x8192xi32>
    %reduce_min3A_571 = arith.constant dense<2147483647> : vector<8xi32>
    %reduce_min3A_572 = vector.multi_reduction <minsi>, %select_n3A_570, %reduce_min3A_571 [1] : vector<8x8192xi32> to vector<8xi32>
    %broadcast_in_dim3A_573 = vector.shape_cast %reduce_min3A_572 : vector<8xi32> to vector<8x1xi32>
    %swap3A_574 = arith.constant 0 : index
    %swap3A_575 = arith.constant 0 : index
    %swap3A_576 = arith.constant 22 : index
    %swap3A_577 = arith.constant 0 : index
    %swap3A_578 = arith.constant 0 : index
    %swap3A_579 = vector.load %arg4[%swap3A_574, %swap3A_575, %swap3A_576, %swap3A_577, %swap3A_578] : memref<1x1x32x8x1xi32, #tpu.memory_space<vmem>>, vector<1x1x1x8x1xi32>
    %swap3A_580 = vector.shape_cast %swap3A_579 : vector<1x1x1x8x1xi32> to vector<8x1xi32>
    %swap3A_581 = vector.shape_cast %broadcast_in_dim3A_573 : vector<8x1xi32> to vector<1x1x1x8x1xi32>
    tpu.vector_store %arg4[%swap3A_574, %swap3A_575, %swap3A_576, %swap3A_577, %swap3A_578], %swap3A_581 {strides = array<i32>} : memref<1x1x32x8x1xi32, #tpu.memory_space<vmem>>, vector<1x1x1x8x1xi32>,
    %eq3A_582 = vector.broadcast %broadcast_in_dim3A_573 : vector<8x1xi32> to vector<8x8192xi32>
    %eq3A_583 = arith.cmpi eq, %iota3A, %eq3A_582 : vector<8x8192xi32>
    %jit3A_584 = arith.constant 0x7F800000 : f32
    %broadcast_in_dim3A_585 = vector.broadcast %jit3A_584 : f32 to vector<8x8192xf32>
    %select_n3A_586 = arith.select %eq3A_583, %broadcast_in_dim3A_585, %select_n3A_562 : vector<8x8192xi1>, vector<8x8192xf32>
    %reduce_min3A_587 = arith.constant dense<0x7F800000> : vector<8xf32>
    %reduce_min3A_588 = vector.multi_reduction <minimumf>, %select_n3A_586, %reduce_min3A_587 [1] : vector<8x8192xf32> to vector<8xf32>
    %broadcast_in_dim3A_589 = vector.shape_cast %reduce_min3A_588 : vector<8xf32> to vector<8x1xf32>
    %eq3A_590 = vector.broadcast %broadcast_in_dim3A_589 : vector<8x1xf32> to vector<8x8192xf32>
    %eq3A_591 = arith.cmpf oeq, %select_n3A_586, %eq3A_590 : vector<8x8192xf32>
    %jit3A_592 = arith.constant 8192 : i32
    %broadcast_in_dim3A_593 = vector.broadcast %jit3A_592 : i32 to vector<8x8192xi32>
    %select_n3A_594 = arith.select %eq3A_591, %iota3A, %broadcast_in_dim3A_593 : vector<8x8192xi1>, vector<8x8192xi32>
    %reduce_min3A_595 = arith.constant dense<2147483647> : vector<8xi32>
    %reduce_min3A_596 = vector.multi_reduction <minsi>, %select_n3A_594, %reduce_min3A_595 [1] : vector<8x8192xi32> to vector<8xi32>
    %broadcast_in_dim3A_597 = vector.shape_cast %reduce_min3A_596 : vector<8xi32> to vector<8x1xi32>
    %swap3A_598 = arith.constant 0 : index
    %swap3A_599 = arith.constant 0 : index
    %swap3A_600 = arith.constant 23 : index
    %swap3A_601 = arith.constant 0 : index
    %swap3A_602 = arith.constant 0 : index
    %swap3A_603 = vector.load %arg4[%swap3A_598, %swap3A_599, %swap3A_600, %swap3A_601, %swap3A_602] : memref<1x1x32x8x1xi32, #tpu.memory_space<vmem>>, vector<1x1x1x8x1xi32>
    %swap3A_604 = vector.shape_cast %swap3A_603 : vector<1x1x1x8x1xi32> to vector<8x1xi32>
    %swap3A_605 = vector.shape_cast %broadcast_in_dim3A_597 : vector<8x1xi32> to vector<1x1x1x8x1xi32>
    tpu.vector_store %arg4[%swap3A_598, %swap3A_599, %swap3A_600, %swap3A_601, %swap3A_602], %swap3A_605 {strides = array<i32>} : memref<1x1x32x8x1xi32, #tpu.memory_space<vmem>>, vector<1x1x1x8x1xi32>,
    %eq3A_606 = vector.broadcast %broadcast_in_dim3A_597 : vector<8x1xi32> to vector<8x8192xi32>
    %eq3A_607 = arith.cmpi eq, %iota3A, %eq3A_606 : vector<8x8192xi32>
    %jit3A_608 = arith.constant 0x7F800000 : f32
    %broadcast_in_dim3A_609 = vector.broadcast %jit3A_608 : f32 to vector<8x8192xf32>
    %select_n3A_610 = arith.select %eq3A_607, %broadcast_in_dim3A_609, %select_n3A_586 : vector<8x8192xi1>, vector<8x8192xf32>
    %reduce_min3A_611 = arith.constant dense<0x7F800000> : vector<8xf32>
    %reduce_min3A_612 = vector.multi_reduction <minimumf>, %select_n3A_610, %reduce_min3A_611 [1] : vector<8x8192xf32> to vector<8xf32>
    %broadcast_in_dim3A_613 = vector.shape_cast %reduce_min3A_612 : vector<8xf32> to vector<8x1xf32>
    %eq3A_614 = vector.broadcast %broadcast_in_dim3A_613 : vector<8x1xf32> to vector<8x8192xf32>
    %eq3A_615 = arith.cmpf oeq, %select_n3A_610, %eq3A_614 : vector<8x8192xf32>
    %jit3A_616 = arith.constant 8192 : i32
    %broadcast_in_dim3A_617 = vector.broadcast %jit3A_616 : i32 to vector<8x8192xi32>
    %select_n3A_618 = arith.select %eq3A_615, %iota3A, %broadcast_in_dim3A_617 : vector<8x8192xi1>, vector<8x8192xi32>
    %reduce_min3A_619 = arith.constant dense<2147483647> : vector<8xi32>
    %reduce_min3A_620 = vector.multi_reduction <minsi>, %select_n3A_618, %reduce_min3A_619 [1] : vector<8x8192xi32> to vector<8xi32>
    %broadcast_in_dim3A_621 = vector.shape_cast %reduce_min3A_620 : vector<8xi32> to vector<8x1xi32>
    %swap3A_622 = arith.constant 0 : index
    %swap3A_623 = arith.constant 0 : index
    %swap3A_624 = arith.constant 24 : index
    %swap3A_625 = arith.constant 0 : index
    %swap3A_626 = arith.constant 0 : index
    %swap3A_627 = vector.load %arg4[%swap3A_622, %swap3A_623, %swap3A_624, %swap3A_625, %swap3A_626] : memref<1x1x32x8x1xi32, #tpu.memory_space<vmem>>, vector<1x1x1x8x1xi32>
    %swap3A_628 = vector.shape_cast %swap3A_627 : vector<1x1x1x8x1xi32> to vector<8x1xi32>
    %swap3A_629 = vector.shape_cast %broadcast_in_dim3A_621 : vector<8x1xi32> to vector<1x1x1x8x1xi32>
    tpu.vector_store %arg4[%swap3A_622, %swap3A_623, %swap3A_624, %swap3A_625, %swap3A_626], %swap3A_629 {strides = array<i32>} : memref<1x1x32x8x1xi32, #tpu.memory_space<vmem>>, vector<1x1x1x8x1xi32>,
    %eq3A_630 = vector.broadcast %broadcast_in_dim3A_621 : vector<8x1xi32> to vector<8x8192xi32>
    %eq3A_631 = arith.cmpi eq, %iota3A, %eq3A_630 : vector<8x8192xi32>
    %jit3A_632 = arith.constant 0x7F800000 : f32
    %broadcast_in_dim3A_633 = vector.broadcast %jit3A_632 : f32 to vector<8x8192xf32>
    %select_n3A_634 = arith.select %eq3A_631, %broadcast_in_dim3A_633, %select_n3A_610 : vector<8x8192xi1>, vector<8x8192xf32>
    %reduce_min3A_635 = arith.constant dense<0x7F800000> : vector<8xf32>
    %reduce_min3A_636 = vector.multi_reduction <minimumf>, %select_n3A_634, %reduce_min3A_635 [1] : vector<8x8192xf32> to vector<8xf32>
    %broadcast_in_dim3A_637 = vector.shape_cast %reduce_min3A_636 : vector<8xf32> to vector<8x1xf32>
    %eq3A_638 = vector.broadcast %broadcast_in_dim3A_637 : vector<8x1xf32> to vector<8x8192xf32>
    %eq3A_639 = arith.cmpf oeq, %select_n3A_634, %eq3A_638 : vector<8x8192xf32>
    %jit3A_640 = arith.constant 8192 : i32
    %broadcast_in_dim3A_641 = vector.broadcast %jit3A_640 : i32 to vector<8x8192xi32>
    %select_n3A_642 = arith.select %eq3A_639, %iota3A, %broadcast_in_dim3A_641 : vector<8x8192xi1>, vector<8x8192xi32>
    %reduce_min3A_643 = arith.constant dense<2147483647> : vector<8xi32>
    %reduce_min3A_644 = vector.multi_reduction <minsi>, %select_n3A_642, %reduce_min3A_643 [1] : vector<8x8192xi32> to vector<8xi32>
    %broadcast_in_dim3A_645 = vector.shape_cast %reduce_min3A_644 : vector<8xi32> to vector<8x1xi32>
    %swap3A_646 = arith.constant 0 : index
    %swap3A_647 = arith.constant 0 : index
    %swap3A_648 = arith.constant 25 : index
    %swap3A_649 = arith.constant 0 : index
    %swap3A_650 = arith.constant 0 : index
    %swap3A_651 = vector.load %arg4[%swap3A_646, %swap3A_647, %swap3A_648, %swap3A_649, %swap3A_650] : memref<1x1x32x8x1xi32, #tpu.memory_space<vmem>>, vector<1x1x1x8x1xi32>
    %swap3A_652 = vector.shape_cast %swap3A_651 : vector<1x1x1x8x1xi32> to vector<8x1xi32>
    %swap3A_653 = vector.shape_cast %broadcast_in_dim3A_645 : vector<8x1xi32> to vector<1x1x1x8x1xi32>
    tpu.vector_store %arg4[%swap3A_646, %swap3A_647, %swap3A_648, %swap3A_649, %swap3A_650], %swap3A_653 {strides = array<i32>} : memref<1x1x32x8x1xi32, #tpu.memory_space<vmem>>, vector<1x1x1x8x1xi32>,
    %eq3A_654 = vector.broadcast %broadcast_in_dim3A_645 : vector<8x1xi32> to vector<8x8192xi32>
    %eq3A_655 = arith.cmpi eq, %iota3A, %eq3A_654 : vector<8x8192xi32>
    %jit3A_656 = arith.constant 0x7F800000 : f32
    %broadcast_in_dim3A_657 = vector.broadcast %jit3A_656 : f32 to vector<8x8192xf32>
    %select_n3A_658 = arith.select %eq3A_655, %broadcast_in_dim3A_657, %select_n3A_634 : vector<8x8192xi1>, vector<8x8192xf32>
    %reduce_min3A_659 = arith.constant dense<0x7F800000> : vector<8xf32>
    %reduce_min3A_660 = vector.multi_reduction <minimumf>, %select_n3A_658, %reduce_min3A_659 [1] : vector<8x8192xf32> to vector<8xf32>
    %broadcast_in_dim3A_661 = vector.shape_cast %reduce_min3A_660 : vector<8xf32> to vector<8x1xf32>
    %eq3A_662 = vector.broadcast %broadcast_in_dim3A_661 : vector<8x1xf32> to vector<8x8192xf32>
    %eq3A_663 = arith.cmpf oeq, %select_n3A_658, %eq3A_662 : vector<8x8192xf32>
    %jit3A_664 = arith.constant 8192 : i32
    %broadcast_in_dim3A_665 = vector.broadcast %jit3A_664 : i32 to vector<8x8192xi32>
    %select_n3A_666 = arith.select %eq3A_663, %iota3A, %broadcast_in_dim3A_665 : vector<8x8192xi1>, vector<8x8192xi32>
    %reduce_min3A_667 = arith.constant dense<2147483647> : vector<8xi32>
    %reduce_min3A_668 = vector.multi_reduction <minsi>, %select_n3A_666, %reduce_min3A_667 [1] : vector<8x8192xi32> to vector<8xi32>
    %broadcast_in_dim3A_669 = vector.shape_cast %reduce_min3A_668 : vector<8xi32> to vector<8x1xi32>
    %swap3A_670 = arith.constant 0 : index
    %swap3A_671 = arith.constant 0 : index
    %swap3A_672 = arith.constant 26 : index
    %swap3A_673 = arith.constant 0 : index
    %swap3A_674 = arith.constant 0 : index
    %swap3A_675 = vector.load %arg4[%swap3A_670, %swap3A_671, %swap3A_672, %swap3A_673, %swap3A_674] : memref<1x1x32x8x1xi32, #tpu.memory_space<vmem>>, vector<1x1x1x8x1xi32>
    %swap3A_676 = vector.shape_cast %swap3A_675 : vector<1x1x1x8x1xi32> to vector<8x1xi32>
    %swap3A_677 = vector.shape_cast %broadcast_in_dim3A_669 : vector<8x1xi32> to vector<1x1x1x8x1xi32>
    tpu.vector_store %arg4[%swap3A_670, %swap3A_671, %swap3A_672, %swap3A_673, %swap3A_674], %swap3A_677 {strides = array<i32>} : memref<1x1x32x8x1xi32, #tpu.memory_space<vmem>>, vector<1x1x1x8x1xi32>,
    %eq3A_678 = vector.broadcast %broadcast_in_dim3A_669 : vector<8x1xi32> to vector<8x8192xi32>
    %eq3A_679 = arith.cmpi eq, %iota3A, %eq3A_678 : vector<8x8192xi32>
    %jit3A_680 = arith.constant 0x7F800000 : f32
    %broadcast_in_dim3A_681 = vector.broadcast %jit3A_680 : f32 to vector<8x8192xf32>
    %select_n3A_682 = arith.select %eq3A_679, %broadcast_in_dim3A_681, %select_n3A_658 : vector<8x8192xi1>, vector<8x8192xf32>
    %reduce_min3A_683 = arith.constant dense<0x7F800000> : vector<8xf32>
    %reduce_min3A_684 = vector.multi_reduction <minimumf>, %select_n3A_682, %reduce_min3A_683 [1] : vector<8x8192xf32> to vector<8xf32>
    %broadcast_in_dim3A_685 = vector.shape_cast %reduce_min3A_684 : vector<8xf32> to vector<8x1xf32>
    %eq3A_686 = vector.broadcast %broadcast_in_dim3A_685 : vector<8x1xf32> to vector<8x8192xf32>
    %eq3A_687 = arith.cmpf oeq, %select_n3A_682, %eq3A_686 : vector<8x8192xf32>
    %jit3A_688 = arith.constant 8192 : i32
    %broadcast_in_dim3A_689 = vector.broadcast %jit3A_688 : i32 to vector<8x8192xi32>
    %select_n3A_690 = arith.select %eq3A_687, %iota3A, %broadcast_in_dim3A_689 : vector<8x8192xi1>, vector<8x8192xi32>
    %reduce_min3A_691 = arith.constant dense<2147483647> : vector<8xi32>
    %reduce_min3A_692 = vector.multi_reduction <minsi>, %select_n3A_690, %reduce_min3A_691 [1] : vector<8x8192xi32> to vector<8xi32>
    %broadcast_in_dim3A_693 = vector.shape_cast %reduce_min3A_692 : vector<8xi32> to vector<8x1xi32>
    %swap3A_694 = arith.constant 0 : index
    %swap3A_695 = arith.constant 0 : index
    %swap3A_696 = arith.constant 27 : index
    %swap3A_697 = arith.constant 0 : index
    %swap3A_698 = arith.constant 0 : index
    %swap3A_699 = vector.load %arg4[%swap3A_694, %swap3A_695, %swap3A_696, %swap3A_697, %swap3A_698] : memref<1x1x32x8x1xi32, #tpu.memory_space<vmem>>, vector<1x1x1x8x1xi32>
    %swap3A_700 = vector.shape_cast %swap3A_699 : vector<1x1x1x8x1xi32> to vector<8x1xi32>
    %swap3A_701 = vector.shape_cast %broadcast_in_dim3A_693 : vector<8x1xi32> to vector<1x1x1x8x1xi32>
    tpu.vector_store %arg4[%swap3A_694, %swap3A_695, %swap3A_696, %swap3A_697, %swap3A_698], %swap3A_701 {strides = array<i32>} : memref<1x1x32x8x1xi32, #tpu.memory_space<vmem>>, vector<1x1x1x8x1xi32>,
    %eq3A_702 = vector.broadcast %broadcast_in_dim3A_693 : vector<8x1xi32> to vector<8x8192xi32>
    %eq3A_703 = arith.cmpi eq, %iota3A, %eq3A_702 : vector<8x8192xi32>
    %jit3A_704 = arith.constant 0x7F800000 : f32
    %broadcast_in_dim3A_705 = vector.broadcast %jit3A_704 : f32 to vector<8x8192xf32>
    %select_n3A_706 = arith.select %eq3A_703, %broadcast_in_dim3A_705, %select_n3A_682 : vector<8x8192xi1>, vector<8x8192xf32>
    %reduce_min3A_707 = arith.constant dense<0x7F800000> : vector<8xf32>
    %reduce_min3A_708 = vector.multi_reduction <minimumf>, %select_n3A_706, %reduce_min3A_707 [1] : vector<8x8192xf32> to vector<8xf32>
    %broadcast_in_dim3A_709 = vector.shape_cast %reduce_min3A_708 : vector<8xf32> to vector<8x1xf32>
    %eq3A_710 = vector.broadcast %broadcast_in_dim3A_709 : vector<8x1xf32> to vector<8x8192xf32>
    %eq3A_711 = arith.cmpf oeq, %select_n3A_706, %eq3A_710 : vector<8x8192xf32>
    %jit3A_712 = arith.constant 8192 : i32
    %broadcast_in_dim3A_713 = vector.broadcast %jit3A_712 : i32 to vector<8x8192xi32>
    %select_n3A_714 = arith.select %eq3A_711, %iota3A, %broadcast_in_dim3A_713 : vector<8x8192xi1>, vector<8x8192xi32>
    %reduce_min3A_715 = arith.constant dense<2147483647> : vector<8xi32>
    %reduce_min3A_716 = vector.multi_reduction <minsi>, %select_n3A_714, %reduce_min3A_715 [1] : vector<8x8192xi32> to vector<8xi32>
    %broadcast_in_dim3A_717 = vector.shape_cast %reduce_min3A_716 : vector<8xi32> to vector<8x1xi32>
    %swap3A_718 = arith.constant 0 : index
    %swap3A_719 = arith.constant 0 : index
    %swap3A_720 = arith.constant 28 : index
    %swap3A_721 = arith.constant 0 : index
    %swap3A_722 = arith.constant 0 : index
    %swap3A_723 = vector.load %arg4[%swap3A_718, %swap3A_719, %swap3A_720, %swap3A_721, %swap3A_722] : memref<1x1x32x8x1xi32, #tpu.memory_space<vmem>>, vector<1x1x1x8x1xi32>
    %swap3A_724 = vector.shape_cast %swap3A_723 : vector<1x1x1x8x1xi32> to vector<8x1xi32>
    %swap3A_725 = vector.shape_cast %broadcast_in_dim3A_717 : vector<8x1xi32> to vector<1x1x1x8x1xi32>
    tpu.vector_store %arg4[%swap3A_718, %swap3A_719, %swap3A_720, %swap3A_721, %swap3A_722], %swap3A_725 {strides = array<i32>} : memref<1x1x32x8x1xi32, #tpu.memory_space<vmem>>, vector<1x1x1x8x1xi32>,
    %eq3A_726 = vector.broadcast %broadcast_in_dim3A_717 : vector<8x1xi32> to vector<8x8192xi32>
    %eq3A_727 = arith.cmpi eq, %iota3A, %eq3A_726 : vector<8x8192xi32>
    %jit3A_728 = arith.constant 0x7F800000 : f32
    %broadcast_in_dim3A_729 = vector.broadcast %jit3A_728 : f32 to vector<8x8192xf32>
    %select_n3A_730 = arith.select %eq3A_727, %broadcast_in_dim3A_729, %select_n3A_706 : vector<8x8192xi1>, vector<8x8192xf32>
    %reduce_min3A_731 = arith.constant dense<0x7F800000> : vector<8xf32>
    %reduce_min3A_732 = vector.multi_reduction <minimumf>, %select_n3A_730, %reduce_min3A_731 [1] : vector<8x8192xf32> to vector<8xf32>
    %broadcast_in_dim3A_733 = vector.shape_cast %reduce_min3A_732 : vector<8xf32> to vector<8x1xf32>
    %eq3A_734 = vector.broadcast %broadcast_in_dim3A_733 : vector<8x1xf32> to vector<8x8192xf32>
    %eq3A_735 = arith.cmpf oeq, %select_n3A_730, %eq3A_734 : vector<8x8192xf32>
    %jit3A_736 = arith.constant 8192 : i32
    %broadcast_in_dim3A_737 = vector.broadcast %jit3A_736 : i32 to vector<8x8192xi32>
    %select_n3A_738 = arith.select %eq3A_735, %iota3A, %broadcast_in_dim3A_737 : vector<8x8192xi1>, vector<8x8192xi32>
    %reduce_min3A_739 = arith.constant dense<2147483647> : vector<8xi32>
    %reduce_min3A_740 = vector.multi_reduction <minsi>, %select_n3A_738, %reduce_min3A_739 [1] : vector<8x8192xi32> to vector<8xi32>
    %broadcast_in_dim3A_741 = vector.shape_cast %reduce_min3A_740 : vector<8xi32> to vector<8x1xi32>
    %swap3A_742 = arith.constant 0 : index
    %swap3A_743 = arith.constant 0 : index
    %swap3A_744 = arith.constant 29 : index
    %swap3A_745 = arith.constant 0 : index
    %swap3A_746 = arith.constant 0 : index
    %swap3A_747 = vector.load %arg4[%swap3A_742, %swap3A_743, %swap3A_744, %swap3A_745, %swap3A_746] : memref<1x1x32x8x1xi32, #tpu.memory_space<vmem>>, vector<1x1x1x8x1xi32>
    %swap3A_748 = vector.shape_cast %swap3A_747 : vector<1x1x1x8x1xi32> to vector<8x1xi32>
    %swap3A_749 = vector.shape_cast %broadcast_in_dim3A_741 : vector<8x1xi32> to vector<1x1x1x8x1xi32>
    tpu.vector_store %arg4[%swap3A_742, %swap3A_743, %swap3A_744, %swap3A_745, %swap3A_746], %swap3A_749 {strides = array<i32>} : memref<1x1x32x8x1xi32, #tpu.memory_space<vmem>>, vector<1x1x1x8x1xi32>,
    %eq3A_750 = vector.broadcast %broadcast_in_dim3A_741 : vector<8x1xi32> to vector<8x8192xi32>
    %eq3A_751 = arith.cmpi eq, %iota3A, %eq3A_750 : vector<8x8192xi32>
    %jit3A_752 = arith.constant 0x7F800000 : f32
    %broadcast_in_dim3A_753 = vector.broadcast %jit3A_752 : f32 to vector<8x8192xf32>
    %select_n3A_754 = arith.select %eq3A_751, %broadcast_in_dim3A_753, %select_n3A_730 : vector<8x8192xi1>, vector<8x8192xf32>
    %reduce_min3A_755 = arith.constant dense<0x7F800000> : vector<8xf32>
    %reduce_min3A_756 = vector.multi_reduction <minimumf>, %select_n3A_754, %reduce_min3A_755 [1] : vector<8x8192xf32> to vector<8xf32>
    %broadcast_in_dim3A_757 = vector.shape_cast %reduce_min3A_756 : vector<8xf32> to vector<8x1xf32>
    %eq3A_758 = vector.broadcast %broadcast_in_dim3A_757 : vector<8x1xf32> to vector<8x8192xf32>
    %eq3A_759 = arith.cmpf oeq, %select_n3A_754, %eq3A_758 : vector<8x8192xf32>
    %jit3A_760 = arith.constant 8192 : i32
    %broadcast_in_dim3A_761 = vector.broadcast %jit3A_760 : i32 to vector<8x8192xi32>
    %select_n3A_762 = arith.select %eq3A_759, %iota3A, %broadcast_in_dim3A_761 : vector<8x8192xi1>, vector<8x8192xi32>
    %reduce_min3A_763 = arith.constant dense<2147483647> : vector<8xi32>
    %reduce_min3A_764 = vector.multi_reduction <minsi>, %select_n3A_762, %reduce_min3A_763 [1] : vector<8x8192xi32> to vector<8xi32>
    %broadcast_in_dim3A_765 = vector.shape_cast %reduce_min3A_764 : vector<8xi32> to vector<8x1xi32>
    %swap3A_766 = arith.constant 0 : index
    %swap3A_767 = arith.constant 0 : index
    %swap3A_768 = arith.constant 30 : index
    %swap3A_769 = arith.constant 0 : index
    %swap3A_770 = arith.constant 0 : index
    %swap3A_771 = vector.load %arg4[%swap3A_766, %swap3A_767, %swap3A_768, %swap3A_769, %swap3A_770] : memref<1x1x32x8x1xi32, #tpu.memory_space<vmem>>, vector<1x1x1x8x1xi32>
    %swap3A_772 = vector.shape_cast %swap3A_771 : vector<1x1x1x8x1xi32> to vector<8x1xi32>
    %swap3A_773 = vector.shape_cast %broadcast_in_dim3A_765 : vector<8x1xi32> to vector<1x1x1x8x1xi32>
    tpu.vector_store %arg4[%swap3A_766, %swap3A_767, %swap3A_768, %swap3A_769, %swap3A_770], %swap3A_773 {strides = array<i32>} : memref<1x1x32x8x1xi32, #tpu.memory_space<vmem>>, vector<1x1x1x8x1xi32>,
    %eq3A_774 = vector.broadcast %broadcast_in_dim3A_765 : vector<8x1xi32> to vector<8x8192xi32>
    %eq3A_775 = arith.cmpi eq, %iota3A, %eq3A_774 : vector<8x8192xi32>
    %jit3A_776 = arith.constant 0x7F800000 : f32
    %broadcast_in_dim3A_777 = vector.broadcast %jit3A_776 : f32 to vector<8x8192xf32>
    %select_n3A_778 = arith.select %eq3A_775, %broadcast_in_dim3A_777, %select_n3A_754 : vector<8x8192xi1>, vector<8x8192xf32>
    %reduce_min3A_779 = arith.constant dense<0x7F800000> : vector<8xf32>
    %reduce_min3A_780 = vector.multi_reduction <minimumf>, %select_n3A_778, %reduce_min3A_779 [1] : vector<8x8192xf32> to vector<8xf32>
    %broadcast_in_dim3A_781 = vector.shape_cast %reduce_min3A_780 : vector<8xf32> to vector<8x1xf32>
    %eq3A_782 = vector.broadcast %broadcast_in_dim3A_781 : vector<8x1xf32> to vector<8x8192xf32>
    %eq3A_783 = arith.cmpf oeq, %select_n3A_778, %eq3A_782 : vector<8x8192xf32>
    %jit3A_784 = arith.constant 8192 : i32
    %broadcast_in_dim3A_785 = vector.broadcast %jit3A_784 : i32 to vector<8x8192xi32>
    %select_n3A_786 = arith.select %eq3A_783, %iota3A, %broadcast_in_dim3A_785 : vector<8x8192xi1>, vector<8x8192xi32>
    %reduce_min3A_787 = arith.constant dense<2147483647> : vector<8xi32>
    %reduce_min3A_788 = vector.multi_reduction <minsi>, %select_n3A_786, %reduce_min3A_787 [1] : vector<8x8192xi32> to vector<8xi32>
    %broadcast_in_dim3A_789 = vector.shape_cast %reduce_min3A_788 : vector<8xi32> to vector<8x1xi32>
    %swap3A_790 = arith.constant 0 : index
    %swap3A_791 = arith.constant 0 : index
    %swap3A_792 = arith.constant 31 : index
    %swap3A_793 = arith.constant 0 : index
    %swap3A_794 = arith.constant 0 : index
    %swap3A_795 = vector.load %arg4[%swap3A_790, %swap3A_791, %swap3A_792, %swap3A_793, %swap3A_794] : memref<1x1x32x8x1xi32, #tpu.memory_space<vmem>>, vector<1x1x1x8x1xi32>
    %swap3A_796 = vector.shape_cast %swap3A_795 : vector<1x1x1x8x1xi32> to vector<8x1xi32>
    %swap3A_797 = vector.shape_cast %broadcast_in_dim3A_789 : vector<8x1xi32> to vector<1x1x1x8x1xi32>
    tpu.vector_store %arg4[%swap3A_790, %swap3A_791, %swap3A_792, %swap3A_793, %swap3A_794], %swap3A_797 {strides = array<i32>} : memref<1x1x32x8x1xi32, #tpu.memory_space<vmem>>, vector<1x1x1x8x1xi32>,
    return
  }
  func.func @transform_0(%arg0: i32, %arg1: i32) -> (i32, i32, i32) {
    %c0_i32 = arith.constant 0 : i32
    %c0_i32_0 = arith.constant 0 : i32
    %c0_i32_1 = arith.constant 0 : i32
    return %arg0, %c0_i32, %c0_i32_0 : i32, i32, i32
  }
  func.func @transform_1(%arg0: i32, %arg1: i32) -> (i32, i32, i32) {
    %c0_i32 = arith.constant 0 : i32
    %c0_i32_0 = arith.constant 0 : i32
    return %arg0, %arg1, %c0_i32 : i32, i32, i32
  }
  func.func @transform_2(%arg0: i32, %arg1: i32) -> (i32, i32, i32, i32, i32) {
    %c0_i32 = arith.constant 0 : i32
    %c0_i32_0 = arith.constant 0 : i32
    %c0_i32_1 = arith.constant 0 : i32
    %c0_i32_2 = arith.constant 0 : i32
    return %arg0, %arg1, %c0_i32, %c0_i32_0, %c0_i32_1 : i32, i32, i32, i32, i32
  }
}

module attributes {stable_mosaic.version = 14 : i64} {
  func.func @_norm_kernel(%arg0: i32, %arg1: memref<1x3x512x32xf32, #tpu.memory_space<vmem>>, %arg2: memref<1x512x3xf32, #tpu.memory_space<vmem>>, %arg3: memref<6xf32, #tpu.memory_space<smem>>, %arg4: memref<1x6x512x32xf32, #tpu.memory_space<vmem>>) attributes {dimension_semantics = [#tpu.dimension_semantics<parallel>], iteration_bounds = array<i64: 8>, scalar_prefetch = 0 : i64, scratch_operands = 0 : i64, tpu.core_type = #tpu.core_type<tc>, window_params = [{transform_indices = @transform_0, window_bounds = array<i64: 1, 3, 512, 32>}, {transform_indices = @transform_1, window_bounds = array<i64: 1, 512, 3>}, {transform_indices = @transform_2, window_bounds = array<i64: 6>}, {transform_indices = @transform_3, window_bounds = array<i64: 1, 6, 512, 32>}]} {
    %get3A = arith.constant 0 : index
    %get3A_0 = arith.constant 0 : index
    %get3A_1 = arith.constant 0 : index
    %get3A_2 = vector.load %arg2[%get3A, %get3A_0, %get3A_1] : memref<1x512x3xf32, #tpu.memory_space<vmem>>, vector<1x512x1xf32>
    %get3A_3 = vector.shape_cast %get3A_2 : vector<1x512x1xf32> to vector<512x1xf32>
    %get3A_4 = arith.constant 0 : index
    %get3A_5 = arith.constant 0 : index
    %get3A_6 = arith.constant 1 : index
    %get3A_7 = vector.load %arg2[%get3A_4, %get3A_5, %get3A_6] : memref<1x512x3xf32, #tpu.memory_space<vmem>>, vector<1x512x1xf32>
    %get3A_8 = vector.shape_cast %get3A_7 : vector<1x512x1xf32> to vector<512x1xf32>
    %get3A_9 = arith.constant 0 : index
    %get3A_10 = arith.constant 0 : index
    %get3A_11 = arith.constant 2 : index
    %get3A_12 = vector.load %arg2[%get3A_9, %get3A_10, %get3A_11] : memref<1x512x3xf32, #tpu.memory_space<vmem>>, vector<1x512x1xf32>
    %get3A_13 = vector.shape_cast %get3A_12 : vector<1x512x1xf32> to vector<512x1xf32>
    %get3A_14 = arith.constant 0 : index
    %get3A_15 = arith.constant 0 : index
    %get3A_16 = arith.constant 0 : index
    %get3A_17 = arith.constant 0 : index
    %get3A_18 = vector.load %arg1[%get3A_14, %get3A_15, %get3A_16, %get3A_17] : memref<1x3x512x32xf32, #tpu.memory_space<vmem>>, vector<1x1x512x32xf32>
    %get3A_19 = vector.shape_cast %get3A_18 : vector<1x1x512x32xf32> to vector<512x32xf32>
    %sub3A = vector.broadcast %get3A_3 : vector<512x1xf32> to vector<512x32xf32>
    %sub3A_20 = arith.subf %get3A_19, %sub3A : vector<512x32xf32>
    %get3A_21 = arith.constant 0 : index
    %get3A_22 = arith.constant 1 : index
    %get3A_23 = arith.constant 0 : index
    %get3A_24 = arith.constant 0 : index
    %get3A_25 = vector.load %arg1[%get3A_21, %get3A_22, %get3A_23, %get3A_24] : memref<1x3x512x32xf32, #tpu.memory_space<vmem>>, vector<1x1x512x32xf32>
    %get3A_26 = vector.shape_cast %get3A_25 : vector<1x1x512x32xf32> to vector<512x32xf32>
    %sub3A_27 = vector.broadcast %get3A_8 : vector<512x1xf32> to vector<512x32xf32>
    %sub3A_28 = arith.subf %get3A_26, %sub3A_27 : vector<512x32xf32>
    %get3A_29 = arith.constant 0 : index
    %get3A_30 = arith.constant 2 : index
    %get3A_31 = arith.constant 0 : index
    %get3A_32 = arith.constant 0 : index
    %get3A_33 = vector.load %arg1[%get3A_29, %get3A_30, %get3A_31, %get3A_32] : memref<1x3x512x32xf32, #tpu.memory_space<vmem>>, vector<1x1x512x32xf32>
    %get3A_34 = vector.shape_cast %get3A_33 : vector<1x1x512x32xf32> to vector<512x32xf32>
    %sub3A_35 = vector.broadcast %get3A_13 : vector<512x1xf32> to vector<512x32xf32>
    %sub3A_36 = arith.subf %get3A_34, %sub3A_35 : vector<512x32xf32>
    %reduce_sum3A = vector.shape_cast %sub3A_20 : vector<512x32xf32> to vector<1x512x32xf32>
    %reduce_sum3A_37 = arith.constant dense<0.000000e+00> : vector<1xf32>
    %reduce_sum3A_38 = vector.multi_reduction <add>, %reduce_sum3A, %reduce_sum3A_37 [1, 2] : vector<1x512x32xf32> to vector<1xf32>
    %reduce_sum3A_39 = vector.shape_cast %reduce_sum3A_38 : vector<1xf32> to vector<1x1x1xf32>
    %reduce_sum3A_40 = vector.extract %reduce_sum3A_39[0, 0, 0] : f32 from vector<1x1x1xf32>
    %reduce_sum3A_41 = vector.shape_cast %sub3A_28 : vector<512x32xf32> to vector<1x512x32xf32>
    %reduce_sum3A_42 = arith.constant dense<0.000000e+00> : vector<1xf32>
    %reduce_sum3A_43 = vector.multi_reduction <add>, %reduce_sum3A_41, %reduce_sum3A_42 [1, 2] : vector<1x512x32xf32> to vector<1xf32>
    %reduce_sum3A_44 = vector.shape_cast %reduce_sum3A_43 : vector<1xf32> to vector<1x1x1xf32>
    %reduce_sum3A_45 = vector.extract %reduce_sum3A_44[0, 0, 0] : f32 from vector<1x1x1xf32>
    %add3A = arith.addf %reduce_sum3A_40, %reduce_sum3A_45 : f32
    %reduce_sum3A_46 = vector.shape_cast %sub3A_36 : vector<512x32xf32> to vector<1x512x32xf32>
    %reduce_sum3A_47 = arith.constant dense<0.000000e+00> : vector<1xf32>
    %reduce_sum3A_48 = vector.multi_reduction <add>, %reduce_sum3A_46, %reduce_sum3A_47 [1, 2] : vector<1x512x32xf32> to vector<1xf32>
    %reduce_sum3A_49 = vector.shape_cast %reduce_sum3A_48 : vector<1xf32> to vector<1x1x1xf32>
    %reduce_sum3A_50 = vector.extract %reduce_sum3A_49[0, 0, 0] : f32 from vector<1x1x1xf32>
    %add3A_51 = arith.addf %add3A, %reduce_sum3A_50 : f32
    %div3A = arith.constant 4.915200e+04 : f32
    %div3A_52 = arith.divf %add3A_51, %div3A : f32
    %sub3A_53 = vector.broadcast %div3A_52 : f32 to vector<512x32xf32>
    %sub3A_54 = arith.subf %sub3A_20, %sub3A_53 : vector<512x32xf32>
    %integer_pow3A = arith.mulf %sub3A_54, %sub3A_54 : vector<512x32xf32>
    %reduce_sum3A_55 = vector.shape_cast %integer_pow3A : vector<512x32xf32> to vector<1x512x32xf32>
    %reduce_sum3A_56 = arith.constant dense<0.000000e+00> : vector<1xf32>
    %reduce_sum3A_57 = vector.multi_reduction <add>, %reduce_sum3A_55, %reduce_sum3A_56 [1, 2] : vector<1x512x32xf32> to vector<1xf32>
    %reduce_sum3A_58 = vector.shape_cast %reduce_sum3A_57 : vector<1xf32> to vector<1x1x1xf32>
    %reduce_sum3A_59 = vector.extract %reduce_sum3A_58[0, 0, 0] : f32 from vector<1x1x1xf32>
    %sub3A_60 = vector.broadcast %div3A_52 : f32 to vector<512x32xf32>
    %sub3A_61 = arith.subf %sub3A_28, %sub3A_60 : vector<512x32xf32>
    %integer_pow3A_62 = arith.mulf %sub3A_61, %sub3A_61 : vector<512x32xf32>
    %reduce_sum3A_63 = vector.shape_cast %integer_pow3A_62 : vector<512x32xf32> to vector<1x512x32xf32>
    %reduce_sum3A_64 = arith.constant dense<0.000000e+00> : vector<1xf32>
    %reduce_sum3A_65 = vector.multi_reduction <add>, %reduce_sum3A_63, %reduce_sum3A_64 [1, 2] : vector<1x512x32xf32> to vector<1xf32>
    %reduce_sum3A_66 = vector.shape_cast %reduce_sum3A_65 : vector<1xf32> to vector<1x1x1xf32>
    %reduce_sum3A_67 = vector.extract %reduce_sum3A_66[0, 0, 0] : f32 from vector<1x1x1xf32>
    %add3A_68 = arith.addf %reduce_sum3A_59, %reduce_sum3A_67 : f32
    %sub3A_69 = vector.broadcast %div3A_52 : f32 to vector<512x32xf32>
    %sub3A_70 = arith.subf %sub3A_36, %sub3A_69 : vector<512x32xf32>
    %integer_pow3A_71 = arith.mulf %sub3A_70, %sub3A_70 : vector<512x32xf32>
    %reduce_sum3A_72 = vector.shape_cast %integer_pow3A_71 : vector<512x32xf32> to vector<1x512x32xf32>
    %reduce_sum3A_73 = arith.constant dense<0.000000e+00> : vector<1xf32>
    %reduce_sum3A_74 = vector.multi_reduction <add>, %reduce_sum3A_72, %reduce_sum3A_73 [1, 2] : vector<1x512x32xf32> to vector<1xf32>
    %reduce_sum3A_75 = vector.shape_cast %reduce_sum3A_74 : vector<1xf32> to vector<1x1x1xf32>
    %reduce_sum3A_76 = vector.extract %reduce_sum3A_75[0, 0, 0] : f32 from vector<1x1x1xf32>
    %add3A_77 = arith.addf %add3A_68, %reduce_sum3A_76 : f32
    %div3A_78 = arith.constant 4.915100e+04 : f32
    %div3A_79 = arith.divf %add3A_77, %div3A_78 : f32
    %sqrt3A = math.sqrt %div3A_79 : f32
    %add3A_80 = arith.constant 9.99999974E-6 : f32
    %add3A_81 = arith.addf %sqrt3A, %add3A_80 : f32
    %div3A_82 = vector.broadcast %add3A_81 : f32 to vector<512x32xf32>
    %div3A_83 = arith.divf %sub3A_20, %div3A_82 : vector<512x32xf32>
    %get3A_84 = arith.constant 0 : index
    %get3A_85 = memref.load %arg3[%get3A_84] : memref<6xf32, #tpu.memory_space<smem>>
    %mul3A = vector.broadcast %get3A_85 : f32 to vector<512x32xf32>
    %mul3A_86 = arith.mulf %div3A_83, %mul3A : vector<512x32xf32>
    %get3A_87 = arith.constant 3 : index
    %get3A_88 = memref.load %arg3[%get3A_87] : memref<6xf32, #tpu.memory_space<smem>>
    %add3A_89 = vector.broadcast %get3A_88 : f32 to vector<512x32xf32>
    %add3A_90 = arith.addf %mul3A_86, %add3A_89 : vector<512x32xf32>
    %swap3A = arith.constant 0 : index
    %swap3A_91 = arith.constant 0 : index
    %swap3A_92 = arith.constant 0 : index
    %swap3A_93 = arith.constant 0 : index
    %swap3A_94 = vector.load %arg4[%swap3A, %swap3A_91, %swap3A_92, %swap3A_93] : memref<1x6x512x32xf32, #tpu.memory_space<vmem>>, vector<1x1x512x32xf32>
    %swap3A_95 = vector.shape_cast %swap3A_94 : vector<1x1x512x32xf32> to vector<512x32xf32>
    %swap3A_96 = vector.shape_cast %add3A_90 : vector<512x32xf32> to vector<1x1x512x32xf32>
    tpu.vector_store %arg4[%swap3A, %swap3A_91, %swap3A_92, %swap3A_93], %swap3A_96 {strides = array<i32>} : memref<1x6x512x32xf32, #tpu.memory_space<vmem>>, vector<1x1x512x32xf32>,
    %div3A_97 = vector.broadcast %add3A_81 : f32 to vector<512x32xf32>
    %div3A_98 = arith.divf %sub3A_28, %div3A_97 : vector<512x32xf32>
    %get3A_99 = arith.constant 1 : index
    %get3A_100 = memref.load %arg3[%get3A_99] : memref<6xf32, #tpu.memory_space<smem>>
    %mul3A_101 = vector.broadcast %get3A_100 : f32 to vector<512x32xf32>
    %mul3A_102 = arith.mulf %div3A_98, %mul3A_101 : vector<512x32xf32>
    %get3A_103 = arith.constant 4 : index
    %get3A_104 = memref.load %arg3[%get3A_103] : memref<6xf32, #tpu.memory_space<smem>>
    %add3A_105 = vector.broadcast %get3A_104 : f32 to vector<512x32xf32>
    %add3A_106 = arith.addf %mul3A_102, %add3A_105 : vector<512x32xf32>
    %swap3A_107 = arith.constant 0 : index
    %swap3A_108 = arith.constant 1 : index
    %swap3A_109 = arith.constant 0 : index
    %swap3A_110 = arith.constant 0 : index
    %swap3A_111 = vector.load %arg4[%swap3A_107, %swap3A_108, %swap3A_109, %swap3A_110] : memref<1x6x512x32xf32, #tpu.memory_space<vmem>>, vector<1x1x512x32xf32>
    %swap3A_112 = vector.shape_cast %swap3A_111 : vector<1x1x512x32xf32> to vector<512x32xf32>
    %swap3A_113 = vector.shape_cast %add3A_106 : vector<512x32xf32> to vector<1x1x512x32xf32>
    tpu.vector_store %arg4[%swap3A_107, %swap3A_108, %swap3A_109, %swap3A_110], %swap3A_113 {strides = array<i32>} : memref<1x6x512x32xf32, #tpu.memory_space<vmem>>, vector<1x1x512x32xf32>,
    %div3A_114 = vector.broadcast %add3A_81 : f32 to vector<512x32xf32>
    %div3A_115 = arith.divf %sub3A_36, %div3A_114 : vector<512x32xf32>
    %get3A_116 = arith.constant 2 : index
    %get3A_117 = memref.load %arg3[%get3A_116] : memref<6xf32, #tpu.memory_space<smem>>
    %mul3A_118 = vector.broadcast %get3A_117 : f32 to vector<512x32xf32>
    %mul3A_119 = arith.mulf %div3A_115, %mul3A_118 : vector<512x32xf32>
    %get3A_120 = arith.constant 5 : index
    %get3A_121 = memref.load %arg3[%get3A_120] : memref<6xf32, #tpu.memory_space<smem>>
    %add3A_122 = vector.broadcast %get3A_121 : f32 to vector<512x32xf32>
    %add3A_123 = arith.addf %mul3A_119, %add3A_122 : vector<512x32xf32>
    %swap3A_124 = arith.constant 0 : index
    %swap3A_125 = arith.constant 2 : index
    %swap3A_126 = arith.constant 0 : index
    %swap3A_127 = arith.constant 0 : index
    %swap3A_128 = vector.load %arg4[%swap3A_124, %swap3A_125, %swap3A_126, %swap3A_127] : memref<1x6x512x32xf32, #tpu.memory_space<vmem>>, vector<1x1x512x32xf32>
    %swap3A_129 = vector.shape_cast %swap3A_128 : vector<1x1x512x32xf32> to vector<512x32xf32>
    %swap3A_130 = vector.shape_cast %add3A_123 : vector<512x32xf32> to vector<1x1x512x32xf32>
    tpu.vector_store %arg4[%swap3A_124, %swap3A_125, %swap3A_126, %swap3A_127], %swap3A_130 {strides = array<i32>} : memref<1x6x512x32xf32, #tpu.memory_space<vmem>>, vector<1x1x512x32xf32>,
    %broadcast_in_dim3A = vector.shape_cast %get3A_3 : vector<512x1xf32> to vector<512x1xf32>
    %broadcast_in_dim3A_131 = vector.broadcast %broadcast_in_dim3A : vector<512x1xf32> to vector<512x32xf32>
    %swap3A_132 = arith.constant 0 : index
    %swap3A_133 = arith.constant 3 : index
    %swap3A_134 = arith.constant 0 : index
    %swap3A_135 = arith.constant 0 : index
    %swap3A_136 = vector.load %arg4[%swap3A_132, %swap3A_133, %swap3A_134, %swap3A_135] : memref<1x6x512x32xf32, #tpu.memory_space<vmem>>, vector<1x1x512x32xf32>
    %swap3A_137 = vector.shape_cast %swap3A_136 : vector<1x1x512x32xf32> to vector<512x32xf32>
    %swap3A_138 = vector.shape_cast %broadcast_in_dim3A_131 : vector<512x32xf32> to vector<1x1x512x32xf32>
    tpu.vector_store %arg4[%swap3A_132, %swap3A_133, %swap3A_134, %swap3A_135], %swap3A_138 {strides = array<i32>} : memref<1x6x512x32xf32, #tpu.memory_space<vmem>>, vector<1x1x512x32xf32>,
    %broadcast_in_dim3A_139 = vector.shape_cast %get3A_8 : vector<512x1xf32> to vector<512x1xf32>
    %broadcast_in_dim3A_140 = vector.broadcast %broadcast_in_dim3A_139 : vector<512x1xf32> to vector<512x32xf32>
    %swap3A_141 = arith.constant 0 : index
    %swap3A_142 = arith.constant 4 : index
    %swap3A_143 = arith.constant 0 : index
    %swap3A_144 = arith.constant 0 : index
    %swap3A_145 = vector.load %arg4[%swap3A_141, %swap3A_142, %swap3A_143, %swap3A_144] : memref<1x6x512x32xf32, #tpu.memory_space<vmem>>, vector<1x1x512x32xf32>
    %swap3A_146 = vector.shape_cast %swap3A_145 : vector<1x1x512x32xf32> to vector<512x32xf32>
    %swap3A_147 = vector.shape_cast %broadcast_in_dim3A_140 : vector<512x32xf32> to vector<1x1x512x32xf32>
    tpu.vector_store %arg4[%swap3A_141, %swap3A_142, %swap3A_143, %swap3A_144], %swap3A_147 {strides = array<i32>} : memref<1x6x512x32xf32, #tpu.memory_space<vmem>>, vector<1x1x512x32xf32>,
    %broadcast_in_dim3A_148 = vector.shape_cast %get3A_13 : vector<512x1xf32> to vector<512x1xf32>
    %broadcast_in_dim3A_149 = vector.broadcast %broadcast_in_dim3A_148 : vector<512x1xf32> to vector<512x32xf32>
    %swap3A_150 = arith.constant 0 : index
    %swap3A_151 = arith.constant 5 : index
    %swap3A_152 = arith.constant 0 : index
    %swap3A_153 = arith.constant 0 : index
    %swap3A_154 = vector.load %arg4[%swap3A_150, %swap3A_151, %swap3A_152, %swap3A_153] : memref<1x6x512x32xf32, #tpu.memory_space<vmem>>, vector<1x1x512x32xf32>
    %swap3A_155 = vector.shape_cast %swap3A_154 : vector<1x1x512x32xf32> to vector<512x32xf32>
    %swap3A_156 = vector.shape_cast %broadcast_in_dim3A_149 : vector<512x32xf32> to vector<1x1x512x32xf32>
    tpu.vector_store %arg4[%swap3A_150, %swap3A_151, %swap3A_152, %swap3A_153], %swap3A_156 {strides = array<i32>} : memref<1x6x512x32xf32, #tpu.memory_space<vmem>>, vector<1x1x512x32xf32>,
    return
  }
  func.func @transform_0(%arg0: i32) -> (i32, i32, i32, i32) {
    %c0_i32 = arith.constant 0 : i32
    %c0_i32_0 = arith.constant 0 : i32
    %c0_i32_1 = arith.constant 0 : i32
    %c0_i32_2 = arith.constant 0 : i32
    return %arg0, %c0_i32, %c0_i32_0, %c0_i32_1 : i32, i32, i32, i32
  }
  func.func @transform_1(%arg0: i32) -> (i32, i32, i32) {
    %c0_i32 = arith.constant 0 : i32
    %c0_i32_0 = arith.constant 0 : i32
    %c0_i32_1 = arith.constant 0 : i32
    return %arg0, %c0_i32, %c0_i32_0 : i32, i32, i32
  }
  func.func @transform_2(%arg0: i32) -> i32 {
    %c0_i32 = arith.constant 0 : i32
    %c0_i32_0 = arith.constant 0 : i32
    return %c0_i32 : i32
  }
  func.func @transform_3(%arg0: i32) -> (i32, i32, i32, i32) {
    %c0_i32 = arith.constant 0 : i32
    %c0_i32_0 = arith.constant 0 : i32
    %c0_i32_1 = arith.constant 0 : i32
    %c0_i32_2 = arith.constant 0 : i32
    return %arg0, %c0_i32, %c0_i32_0, %c0_i32_1 : i32, i32, i32, i32
  }
}

</mosaic_0001>

<sc_bundles>
// kernel: kernel.6.cloned.1.call-start
scs
__scs_entry_jumppad:
0x0: {  	(pc) =	sbr.rel $0x88, $3  }
0x1: {  	(tag) =	ssettag $0x0;
	lr =	simm.s32 $0x1  }
0x2: {  	[smem:$0x3F9E] =	sst lr;
	_ =	strace $0xD0000000  }
0x3: {  	_ = 	snop  }
0x4: {  	_ = 	snop  }
0x5: {  	_ = 	snop  }
0x6: {  	_ = 	snop  }
0x7: {  	_ = 	snop  }
__scs_overlays_trampoline_lowered:
0x8: {  	[smem:$0x3FAD] =	sst s0  }
0x9: {  	[smem:$0x3FAE] =	sst s1  }
0xa: {  	[smem:$0x3FAF] =	sst s2  }
0xb: {  	[smem:$0x3FB0] =	sst s3  }
0xc: {  	[smem:$0x3FB1] =	sst s4  }
0xd: {  	[smem:$0x3FB2] =	sst s5  }
0xe: {  	[smem:$0x3FB3] =	sst s6  }
0xf: {  	[smem:$0x3FB4] =	sst s7  }
0x10: {  	[smem:$0x3FB5] =	sst s8  }
0x11: {  	[smem:$0x3FB6] =	sst s9;
	s0 =	simm.s32 @!p0 $0x0  }
0x12: {  	s1 =	sld [smem:$0x3F9C];
	s0 =	simm.s32 @p0 $0x1  }
0x13: {  	[smem:$0x3FB7] =	sst s0;
	s0 =	simm.s32 @!p1 $0x0  }
0x14: {  	s2 =	sld [smem:$0x3F9B];
	s0 =	simm.s32 @p1 $0x1  }
0x15: {  	[smem:$0x3FB8] =	sst s0;
	s0 =	simm.s32 @!p2 $0x0  }
0x16: {  	s3 =	sld [smem:$0x3FDB];
	s0 =	simm.s32 @p2 $0x1  }
0x17: {  	s4 =	simm.s32 $0x1BF5;
	[smem:$0x3FBA] =	sst s0  }
0x18: {  	s0 =	sld [smem:$0x3F9D];
	_ =	swait.ge [sflag:s4], $0x0  }
0x19: {  	s7 =	sld [smem:$0x3F9E]  }
0x1a: {  	s8 =	sadd.s32 $0xFFFFE003, lr  }
0x1b: {  	s9 =	sadd.s32 $0xFFFFFEF7, lr;
	s5 =	simm.s32 $0xFFFFFFFF;
	p2 =	slt.u32 s8, $0xFFFFF086  }
0x1c: {  	p1 =	slt.u32 s9, $0xF7A;
	s5 =	simm.s32 @!p2 $0x0  }
0x1d: {  	s5 =	simm.s32 @p1 $0x1;
	p0 =	seq.s32 s7, s2  }
0x1e: {  	s7 =	smul.u32 @!p0 $0xF7A, s2;
	p2 =	seq.s32 @!p0 s5, $0x0  }
0x1f: {  	s9 =	smul.u32 $0xF7A, s1;
	s8 =	simm.s32 @!p0 $0x1BF5;
	p2 =	por !p2, p0  }
0x20: {  	[sflag:s8] =	ssyncset.s32 @!p0 $0xFFFFF086;
	s6 =	sadd.s32 @!p0 s3, s7;
	s7 =	simm.s32 @!p0 $0x108  }
0x21: {  	s3 =	sadd.s32 s3, s9;
	s6 =	sadd.s32 @!p0 $0x88, s6;
	s7 =	simm.s32 @p2 $0x1082  }
0x22: {  	[simem:s7], [sflag:s8] =	dma.local @!p0 [hbm:s6], $0xF7A  }
0x23: {  	s9 =	sor.u32 $0xD0000000, s2;
	s6 =	simm.s32 $0x108;
	_ =	swait.ge @!p0 [sflag:s8], $0x0  }
0x24: {  	s3 =	sadd.s32 $0x88, s3;
	s6 =	simm.s32 @!p1 $0x1082;
	[sflag:s4] =	ssyncset.s32 $0xFFFFF086  }
0x25: {  	[simem:s6], [sflag:s4] =	dma.local [hbm:s3], $0xF7A  }
0x26: {  	[smem:$0x3F9E] =	sst s1;
	(tag) =	ssettag s2;
	_ =	strace s9  }
0x27: {  	s1 =	sld [smem:$0x3FAE]  }
0x28: {  	s2 =	sld [smem:$0x3FAF]  }
0x29: {  	s4 =	sld [smem:$0x3FB1]  }
0x2a: {  	p0 =	seq.s32 s5, $0x0;
	s5 =	sld [smem:$0x3FB2]  }
0x2b: {  	s6 =	sld [smem:$0x3FB3]  }
0x2c: {  	s7 =	sld [smem:$0x3FB4]  }
0x2d: {  	s3 =	simm.s32 $0x108;
	s8 =	sld [smem:$0x3FB5]  }
0x2e: {  	s3 =	simm.s32 @!p0 $0x1082;
	s9 =	sld [smem:$0x3FB6]  }
0x2f: {  	lr =	sadd.s32 s0, s3;
	s0 =	sld [smem:$0x3FAD]  }
0x30: {  	s3 =	sld [smem:$0x3FB0]  }
0x31: {  	[smem:$0x3FB9] =	sst s10  }
0x32: {  	s10 =	sld [smem:$0x3FB7];
	_ =	sdelay $0x3  }
0x33: {  	p0 =	seq.s32 s10, $0x1;
	s10 =	sld [smem:$0x3FB9];
	_ =	sdelay $0x3  }
0x34: {  	[smem:$0x3FB9] =	sst s10  }
0x35: {  	s10 =	sld [smem:$0x3FB8];
	_ =	sdelay $0x3  }
0x36: {  	p1 =	seq.s32 s10, $0x1;
	s10 =	sld [smem:$0x3FB9];
	_ =	sdelay $0x3  }
0x37: {  	[smem:$0x3FB9] =	sst s10  }
0x38: {  	s10 =	sld [smem:$0x3FBA]  }
0x39: {  	_ = 	snop;
	(pc) =	sbr.ind lr, $3  }
0x3a: {  	_ = 	snop  }
0x3b: {  	_ = 	snop  }
0x3c: {  	p2 =	seq.s32 s10, $0x1;
	s10 =	sld [smem:$0x3FB9]  }
0x3d: {  	_ =	shalt  }
0x3e: {  	_ =	shalt  }
0x3f: {  	_ =	shalt  }
0x40: {  	_ =	shalt  }
0x41: {  	_ =	shalt  }
0x42: {  	_ =	shalt  }
0x43: {  	_ =	shalt  }
0x44: {  	_ =	shalt  }
0x45: {  	_ =	shalt  }
0x46: {  	_ =	shalt  }
0x47: {  	_ =	shalt  }
0x48: {  	_ =	shalt  }
0x49: {  	_ =	shalt  }
0x4a: {  	_ =	shalt  }
0x4b: {  	_ =	shalt  }
0x4c: {  	_ =	shalt  }
0x4d: {  	_ =	shalt  }
0x4e: {  	_ =	shalt  }
0x4f: {  	_ =	shalt  }
0x50: {  	_ =	shalt  }
0x51: {  	_ =	shalt  }
0x52: {  	_ =	shalt  }
0x53: {  	_ =	shalt  }
0x54: {  	_ =	shalt  }
0x55: {  	_ =	shalt  }
0x56: {  	_ =	shalt  }
0x57: {  	_ =	shalt  }
0x58: {  	_ =	shalt  }
0x59: {  	_ =	shalt  }
0x5a: {  	_ =	shalt  }
0x5b: {  	_ =	shalt  }
0x5c: {  	_ =	shalt  }
0x5d: {  	_ =	shalt  }
0x5e: {  	_ =	shalt  }
0x5f: {  	_ =	shalt  }
0x60: {  	_ =	shalt  }
0x61: {  	_ =	shalt  }
0x62: {  	_ =	shalt  }
0x63: {  	_ =	shalt  }
0x64: {  	_ =	shalt  }
0x65: {  	_ =	shalt  }
0x66: {  	_ =	shalt  }
0x67: {  	_ =	shalt  }
0x68: {  	_ =	shalt  }
0x69: {  	_ =	shalt  }
0x6a: {  	_ =	shalt  }
0x6b: {  	_ =	shalt  }
0x6c: {  	_ =	shalt  }
0x6d: {  	_ =	shalt  }
0x6e: {  	_ =	shalt  }
0x6f: {  	_ =	shalt  }
0x70: {  	_ =	shalt  }
0x71: {  	_ =	shalt  }
0x72: {  	_ =	shalt  }
0x73: {  	_ =	shalt  }
0x74: {  	_ =	shalt  }
0x75: {  	_ =	shalt  }
0x76: {  	_ =	shalt  }
0x77: {  	_ =	shalt  }
0x78: {  	_ =	shalt  }
0x79: {  	_ =	shalt  }
0x7a: {  	_ =	shalt  }
0x7b: {  	_ =	shalt  }
0x7c: {  	_ =	shalt  }
0x7d: {  	_ =	shalt  }
0x7e: {  	_ =	shalt  }
0x7f: {  	_ =	shalt  }
0x80: {  	_ =	shalt  }
0x81: {  	_ =	shalt  }
0x82: {  	_ =	shalt  }
0x83: {  	_ =	shalt  }
0x84: {  	_ =	shalt  }
0x85: {  	_ =	shalt  }
0x86: {  	_ =	shalt  }
0x87: {  	_ =	shalt  }
.Lfunc_end0:
.L_simem_size_0:
called_computation_lowered:
.L_overlay_start_0:
0x88: {  	s2 =	sld [smem:$0x3FD9]  }
0x89: {  	s3 =	sld [smem:$0x3FFE];
	_ =	sdelay $0x1  }
0x8a: {  	s1 =	srdreg.scid  }
0x8b: {  	s0 =	sand.u32 $0x1, s1  }
0x8c: {  	s14 =	sshll.u32 s0, $0xA;
	s2 =	sadd.s32 s3, s2  }
0x8d: {  	s2 =	sadd.s32 s2, s14  }
0x8e: {  	[smem:$0x3FC5] =	sst s2  }
0x8f: {  	_ = 	snop  }
0x90: {  	s2 =	sld [smem:$0x3FD0];
	_ =	sdelay $0x2  }
0x91: {  	s15 =	simm.s32 $0xA;
	s4 =	simm.s32 $0x10  }
0x92: {  	[smem:s4], [sflag:s15] =	dma.local [hbm:s2], $0x1  }
0x93: {  	_ =	swait.eq [sflag:s15], $0x1  }
0x94: {  	[sflag:s15] =	ssyncset.done $0x0  }
0x95: {  	[sflag:s15] =	ssyncadd.s32 $0xFFFFFFFF  }
0x96: {  	s16 =	sld [smem:$0x10];
	(tm) =	ssettm $0x1  }
0x97: {  	s17 =	sld [smem:$0x3FFB];
	_ =	sdelay $0x3  }
0x98: {  	_ =	strace s17  }
0x99: {  	s3 =	sld [smem:$0x3FFC];
	_ =	sdelay $0x3  }
0x9a: {  	_ =	strace s3  }
0x9b: {  	s3 =	sld [smem:$0x3FFD];
	_ =	sdelay $0x3  }
0x9c: {  	_ =	strace s3  }
0x9d: {  	_ =	strace $0x8FFFFFFF  }
0x9e: {  	s18 =	sld [smem:$0x3FDB];
	_ =	sdelay $0x1  }
0x9f: {  	s19 =	simm.s32 $_scs_section_size  }
0xa0: {  	s5 =	simm.s32 $_size__tile_overlayer_lowered;
	s6 =	simm.s32 $_tile_overlayer_lowered  }
0xa1: {  	s22 =	simm.s32 $0x1BFF;
	s21 =	sshll.u32 s6, $0x1;
	s3 =	sadd.s32 s19, s18  }
0xa2: {  	s7 =	simm.s32 $0x0;
	s20 =	sshll.u32 s5, $0x1;
	s5 =	sadd.s32 s21, s3  }
0xa3: {  	[timem:s7], [sflag:s22] =	dma.local [hbm:s5], s20  }
0xa4: {  	_ =	swait.ge [sflag:s22], s20  }
0xa5: {  	s4 =	ssub.s32 $0x0, s20;
	[sflag:s22] =	ssyncset.done $0x0  }
0xa6: {  	[sflag:s22] =	ssyncadd.s32 s4;
	_ =	sdelay $0x1  }
0xa7: {  	s23 =	simm.s32 $0x1B8B  }
0xa8: {  	_ =	swait.ge [sflag:s23], $0x1  }
0xa9: {  	[sflag:s23] =	ssyncset.done $0x0  }
0xaa: {  	s25 =	simm.s32 $0x1B8E;
	s24 =	sld [smem:$0x3FFE];
	[sflag:s23] =	ssyncadd.s32 $0xFFFFFFFF  }
0xab: {  	s26 =	simm.s32 $execute0_lowered;
	[smem:$0x3FD2] =	sst s25  }
0xac: {  	s5 =	sshll.u32 s26, $0x1;
	_ =	strace $0x80000046;
	[dreg:$0x1] =	wrdreg $0xFFFFFFFF  }
0xad: {  	s28 =	simm.s32 $_size_execute0_lowered;
	s3 =	sadd.s32 s3, s5;
	[dreg:$0x0] =	wrdreg $0x0  }
0xae: {  	s5 =	sshll.u32 s28, $0x1;
	[dreg:$0x2] =	wrdreg s3  }
0xaf: {  	[dreg:$0x3] =	wrdreg s5  }
0xb0: {  	[dreg:$0x4] =	wrdreg $0xC0  }
0xb1: {  	_ =	task [dreg:s7], $0x5FFFF  }
0xb2: {  	[dreg:$0x1] =	wrdreg $0xFFFFFFFF  }
0xb3: {  	[dreg:$0x0] =	wrdreg $0x60  }
0xb4: {  	[dreg:$0x2] =	wrdreg s24  }
0xb5: {  	[dreg:$0x3] =	wrdreg s16  }
0xb6: {  	[dreg:$0x4] =	wrdreg $0x9  }
0xb7: {  	_ =	task.clear_ibuf [dreg:s7], $0x5FFFF;
	_ =	strace $0x90000046  }
0xb8: {  	s29 =	simm.s32 $0x9;
	_ =	strace $0x80000048  }
0xb9: {  	_ =	swait.ge [sflag:s29], $0x1  }
0xba: {  	[sflag:s29] =	ssyncadd.s32 $0xFFFFFFFF  }
0xbb: {  	_ =	strace $0x90000048  }
0xbc: {  	_ =	sfence  }
0xbd: {  	s30 =	sld [smem:$0x0];
	_ =	sdelay $0x2  }
0xbe: {  	s31 =	sshll.u32 s1, $0xD;
	s1 =	sshrl.u32 s1, $0x2  }
0xbf: {  	s3 =	sand.u32 $0x4000, s31;
	s1 =	sadd.s32 s1, s30  }
0xc0: {  	s0 =	sor.u32 s3, s0;
	s1 =	sshll.u32 s1, $0x11  }
0xc1: {  	s0 =	sor.u32 s1, s0  }
0xc2: {  	s0 =	sadd.s32 $0x8F2B, s0  }
0xc3: {  	[sflag:s0] =	ssyncadd.remote.s32 $0x1  }
0xc4: {  	_ =	sfence.sel $0xFFFF  }
0xc5: {  	[dreg:$0x0] =	wrdreg $0xFFFFFFFF;
	(pc) =	sbr.abs _section_cstart, $3  }
0xc6: {  	[dreg:$0x1] =	wrdreg $0xFFFFFFFF  }
0xc7: {  	_ =	task.clear_ibuf [dreg:s7], $0x2FFFF;
	_ =	strace $0x9FFFFFFF  }
0xc8: {  	(tm) =	ssettm $0x7FFFFFFF  }
0xc9: {  	_ =	shalt  }
tec
execute0_lowered:
.L_overlay_start_1:
0x0: {  	(tag) =	ssettag $0x1  }
0x1: {  	s12 =	rddreg [dreg:$0x0]  }
0x2: {  	s3 =	rddreg [dreg:$0x1];
	s2 =	srdreg.scid  }
0x3: {  	s0 =	rddreg [dreg:$0x2];
	s1 =	stileid.u32;
	s13 =	sand.u32 $0x1, s2  }
0x4: {  	s2 =	simm.s32 $0x0;
	s4 =	sshll.u32 s1, $0xA;
	s5 =	sshll.u32 s13, $0x9  }
0x5: {  	[smem:$0x7FF] =	sst s2;
	s14 =	sor.u32 s5, s4  }
0x6: {  	_ =	strace $0x80000047;
	s4 =	sadd.s32 s3, s14;
	s3 =	simm.s32 $0x2  }
0x7: {  	[tilespmem:s2], [sflag:$0x2] =	stream.linear.gather [hbm4b:s4+s2], $0x1000, $0x38;
	[tilespmem:$0x4000] =	vst v63  }
0x8: {  	_ =	swait.ge [sflag:s3], $0x1000  }
0x9: {  	s6 =	simm.s32 $0x1000;
	[sflag:s3] =	ssyncset.done $0x0  }
0xa: {  	s7 =	simm.s32 $0x1;
	s5 =	sadd.s32 $0x5400, s12;
	[sflag:s3] =	ssyncadd.s32 $0xFFFFF000  }
0xb: {  	[tilespmem:s6], [sflag:$0x1] =	stream.indirect.gather [hbm4b:s5+s6], $0x1, s2, s6, $0xb8;
	[tilespmem:$0x4000] =	vst v63  }
0xc: {  	_ =	swait.ge [sflag:s7], $0x1000  }
0xd: {  	[sflag:s7] =	ssyncset.done $0x0  }
0xe: {  	s9 =	simm.s32 $0x2000;
	s8 =	sadd.s32 $0x3400, s12;
	[sflag:s7] =	ssyncadd.s32 $0xFFFFF000  }
0xf: {  	[tilespmem:s9], [sflag:$0x1] =	stream.indirect.gather [hbm4b:s8+s6], $0x1, s2, s6, $0xb8;
	[tilespmem:$0x4000] =	vst v63  }
0x10: {  	_ =	swait.ge [sflag:s7], $0x1000  }
0x11: {  	[sflag:s7] =	ssyncset.done $0x0  }
0x12: {  	s11 =	simm.s32 $0x3000;
	s10 =	sadd.s32 $0x1400, s12;
	[sflag:s7] =	ssyncadd.s32 $0xFFFFF000  }
0x13: {  	[tilespmem:s11], [sflag:$0x1] =	stream.indirect.gather [hbm4b:s10+s6], $0x1, s2, s6, $0xb8;
	[tilespmem:$0x4000] =	vst v63  }
0x14: {  	_ =	swait.ge [sflag:s7], $0x1000  }
0x15: {  	s14 =	sadd.s32 s14, s12;
	[sflag:s7] =	ssyncset.done $0x0  }
0x16: {  	s15 =	ssub.s32 $0x2, s13;
	s12 =	sadd.s32 $0x7400, s14;
	[sflag:s7] =	ssyncadd.s32 $0xFFFFF000  }
0x17: {  	[hbm4b:s12+s2] =	stream.linear.scatter [tilespmem:s6], [sflag:$0x2], $0x1000, $0x38;
	[tilespmem:$0x4000] =	vst v63  }
0x18: {  	s16 =	sshrl.u32 s15, $0x1;
	_ =	swait.ge [sflag:s3], $0x1000  }
0x19: {  	s15 =	ssub.s32 s15, s16;
	[sflag:s3] =	ssyncset.done $0x0  }
0x1a: {  	s13 =	sadd.s32 $0xB400, s14;
	s15 =	smax.u32 s15, $0x1;
	[sflag:s3] =	ssyncadd.s32 $0xFFFFF000  }
0x1b: {  	[hbm4b:s13+s2] =	stream.linear.scatter [tilespmem:s9], [sflag:$0x2], $0x1000, $0x38;
	[tilespmem:$0x4000] =	vst v63  }
0x1c: {  	p0 =	sne.s32 s15, $0x1;
	_ =	swait.ge [sflag:s3], $0x1000  }
.Ltmp0:
0x1d: {  	[sflag:s3] =	ssyncset.done $0x0;
	(pc) =	sbr.rel @!p0 .LBB2_2-.Ltmp0, $4  }
0x1e: {  	s14 =	sadd.s32 $0xF400, s14;
	[sflag:s3] =	ssyncadd.s32 $0xFFFFF000  }
0x1f: {  	[hbm4b:s14+s2] =	stream.linear.scatter [tilespmem:s11], [sflag:$0x2], $0x1000, $0x38;
	[tilespmem:$0x4000] =	vst v63  }
0x20: {  	_ =	swait.ge [sflag:s3], $0x1000  }
0x21: {  	s15 =	sadd.s32 $0xFFFFFFFF, s15;
	[sflag:s3] =	ssyncset.done $0x0  }
.LBB2_1:
0x22: {  	p0 =	sne.s32 s15, $0x1;
	s15 =	sadd.s32 $0xFFFFFFFF, s15;
	[sflag:s3] =	ssyncadd.s32 $0xFFFFF000  }
0x23: {  	[tilespmem:s2], [sflag:$0x2] =	stream.linear.gather [hbm4b:s4+s2], $0x1000, $0x38;
	[tilespmem:$0x4000] =	vst v63  }
0x24: {  	_ =	swait.ge [sflag:s3], $0x1000  }
0x25: {  	[sflag:s3] =	ssyncset.done $0x0  }
0x26: {  	[sflag:s3] =	ssyncadd.s32 $0xFFFFF000  }
0x27: {  	[tilespmem:s6], [sflag:$0x1] =	stream.indirect.gather [hbm4b:s5+s6], $0x1, s2, s6, $0xb8;
	[tilespmem:$0x4000] =	vst v63  }
0x28: {  	_ =	swait.ge [sflag:s7], $0x1000  }
0x29: {  	[sflag:s7] =	ssyncset.done $0x0  }
0x2a: {  	[sflag:s7] =	ssyncadd.s32 $0xFFFFF000  }
0x2b: {  	[tilespmem:s9], [sflag:$0x1] =	stream.indirect.gather [hbm4b:s8+s6], $0x1, s2, s6, $0xb8;
	[tilespmem:$0x4000] =	vst v63  }
0x2c: {  	_ =	swait.ge [sflag:s7], $0x1000  }
0x2d: {  	[sflag:s7] =	ssyncset.done $0x0  }
0x2e: {  	[sflag:s7] =	ssyncadd.s32 $0xFFFFF000  }
0x2f: {  	[tilespmem:s11], [sflag:$0x1] =	stream.indirect.gather [hbm4b:s10+s6], $0x1, s2, s6, $0xb8;
	[tilespmem:$0x4000] =	vst v63  }
0x30: {  	_ =	swait.ge [sflag:s7], $0x1000  }
0x31: {  	[sflag:s7] =	ssyncset.done $0x0  }
0x32: {  	[sflag:s7] =	ssyncadd.s32 $0xFFFFF000  }
0x33: {  	[hbm4b:s12+s2] =	stream.linear.scatter [tilespmem:s6], [sflag:$0x2], $0x1000, $0x38;
	[tilespmem:$0x4000] =	vst v63  }
0x34: {  	_ =	swait.ge [sflag:s3], $0x1000  }
0x35: {  	[sflag:s3] =	ssyncset.done $0x0  }
0x36: {  	[sflag:s3] =	ssyncadd.s32 $0xFFFFF000  }
0x37: {  	[hbm4b:s13+s2] =	stream.linear.scatter [tilespmem:s9], [sflag:$0x2], $0x1000, $0x38;
	[tilespmem:$0x4000] =	vst v63  }
0x38: {  	_ =	swait.ge [sflag:s3], $0x1000  }
.Ltmp1:
0x39: {  	[sflag:s3] =	ssyncset.done $0x0;
	(pc) =	sbr.rel @p0 .LBB2_1-.Ltmp1, $4  }
0x3a: {  	[sflag:s3] =	ssyncadd.s32 $0xFFFFF000  }
0x3b: {  	[hbm4b:s14+s2] =	stream.linear.scatter [tilespmem:s11], [sflag:$0x2], $0x1000, $0x38;
	[tilespmem:$0x4000] =	vst v63  }
0x3c: {  	_ =	swait.ge [sflag:s3], $0x1000  }
0x3d: {  	[sflag:s3] =	ssyncset.done $0x0  }
.LBB2_2:
0x3e: {  	[sflag:s3] =	ssyncadd.s32 $0xFFFFF000  }
0x3f: {  	_ =	sfence.sel $0x180000  }
0x40: {  	[bflag:$0x0] =	sbarrier.arrive $0xFFFF  }
0x41: {  	p0 =	sne.s32 s1, $0x0;
	_ =	strace $0x90000047  }
0x42: {  	s0 =	sadd.s32 @!p0 $0x100000, s0;
	[bflag:$0x2] =	sbarrier.arrive $0xFFFF  }
0x43: {  	[sflag:s0] =	ssyncadd.tile.s32 @!p0 $0x1;
	_ =	shalt  }
.Lfunc_end2:
_tile_overlayer_lowered:
.L_overlay_start_2:
0x44: {  	(tag) =	ssettag $0x2  }
0x45: {  	s0 =	rddreg [dreg:$0x0];
	s2 =	stileid.u32  }
0x46: {  	s1 =	rddreg [dreg:$0x1];
	p0 =	sne.s32 s2, $0x0  }
0x47: {  	s3 =	rddreg [dreg:$0x2];
	[bflag:$0x3] =	sbarrier.arrive $0xFFFF;
	s2 =	simm.s32 @!p0 $0x1C02  }
0x48: {  	[timem:s3], [sflag:s2] =	dma.local @!p0 [hbm:s0], s1  }
0x49: {  	s0 =	simm.s32 @!p0 $0x2  }
0x4a: {  	_ =	swait.ge @!p0 [sflag:s0], s1  }
0x4b: {  	s1 =	ssub.s32 @!p0 $0x0, s1;
	[sflag:s0] =	ssyncset.done @!p0 $0x0  }
0x4c: {  	[sflag:s0] =	ssyncadd.s32 @!p0 s1  }
0x4d: {  	[bflag:$0x3] =	sbarrier.arrive $0xFFFF  }
0x4e: {  	_ =	shalt  }

</sc_bundles>
